<compile_context>
chip_gen: v7x
topology: tpu7x:2x2x1
jax: 0.10.2.dev20260603
libtpu: 0.0.44.dev20260713+nightly
codegen_flags: <defaults>
</compile_context>

<pallas_src>
import jax
import jax.numpy as jnp
from jax import lax
from jax.experimental import pallas as pl
from jax.experimental.pallas import tpu as pltpu
from jax.experimental.pallas import tpu_sc as plsc

N_NODES = 10000
N_EDGES = 320000
CH = 128

NC = 2
NS = 16
NW = NC * NS
EDGES_PER_W = N_EDGES // NW
WIN = 40
N_WIN = EDGES_PER_W // WIN
ROWS_PER_S = 624
ROWS_TAIL = N_NODES - NS * ROWS_PER_S

_MESH = plsc.VectorSubcoreMesh(
    core_axis_name="c", subcore_axis_name="s", num_cores=NC, num_subcores=NS
)


def _sc_spmm_body(y_hbm, row_hbm, col_hbm, ones_hbm, seq_hbm, z_hbm,
                  flag_hbm, out_hbm,
                  ridx0_v, cidx0_v, ridx1_v, cidx1_v, sidx_v, flag_v, rows_v,
                  isem0, isem1, ssem0, ssem1, acc_sh):
    c = lax.axis_index("c")
    s = lax.axis_index("s")
    wid = s * NC + c
    r0 = s * ROWS_PER_S

    pltpu.sync_copy(seq_hbm, sidx_v)
    pltpu.sync_copy(ones_hbm.at[sidx_v], rows_v)

    pltpu.sync_copy(z_hbm.at[pl.ds(r0, ROWS_PER_S)],
                    acc_sh.at[pl.ds(r0, ROWS_PER_S)])

    @pl.when(s == 0)
    def _():
        pltpu.sync_copy(z_hbm.at[pl.ds(NS * ROWS_PER_S, ROWS_TAIL)],
                        acc_sh.at[pl.ds(NS * ROWS_PER_S, ROWS_TAIL)])

    pltpu.sync_copy(flag_hbm, flag_v)
    plsc.subcore_barrier()

    is_deg = lax.reduce_max(flag_v[...], axes=(0,)) == 1
    base = wid * EDGES_PER_W
    idx_bufs = ((ridx0_v, cidx0_v, isem0), (ridx1_v, cidx1_v, isem1))

    def start_idx(w, b, with_col):
        ridx_v, cidx_v, isem = idx_bufs[b]
        e0 = base + w * WIN
        pltpu.async_copy(row_hbm.at[pl.ds(e0, WIN)], ridx_v, isem)
        if with_col:
            pltpu.async_copy(col_hbm.at[pl.ds(e0, WIN)], cidx_v, isem)

    def wait_idx(w, b, with_col):
        ridx_v, cidx_v, isem = idx_bufs[b]
        e0 = base + w * WIN
        pltpu.make_async_copy(row_hbm.at[pl.ds(e0, WIN)], ridx_v, isem).wait()
        if with_col:
            pltpu.make_async_copy(
                col_hbm.at[pl.ds(e0, WIN)], cidx_v, isem).wait()

    def window_loop():
        def process(w, b):
            ridx_v, cidx_v, _ = idx_bufs[b]
            pltpu.sync_copy(y_hbm.at[cidx_v], rows_v)
            pltpu.sync_copy(rows_v, acc_sh.at[ridx_v], add=True)

        start_idx(0, 0, True)
        wait_idx(0, 0, True)

        @pl.loop(0, N_WIN // 2)
        def _(g):
            w = 2 * g
            start_idx(w + 1, 1, True)
            process(w, 0)
            wait_idx(w + 1, 1, True)

            @pl.when(w + 2 < N_WIN)
            def _():
                start_idx(w + 2, 0, True)

            process(w + 1, 1)

            @pl.when(w + 2 < N_WIN)
            def _():
                wait_idx(w + 2, 0, True)

    def deg_loop():
        slots = (ridx0_v, ridx1_v, cidx0_v, cidx1_v)
        isems = (isem0, isem1)

        def idx_start(w, b):
            pltpu.async_copy(row_hbm.at[pl.ds(base + w * WIN, WIN)],
                             slots[b], isems[b % 2])

        def idx_wait(w, b):
            pltpu.make_async_copy(row_hbm.at[pl.ds(base + w * WIN, WIN)],
                                  slots[b], isems[b % 2]).wait()

        def sc_start(b):
            pltpu.async_copy(rows_v, acc_sh.at[slots[b]], ssem0 if b % 2 == 0
                             else ssem1, add=True)

        def sc_wait(b):
            pltpu.make_async_copy(rows_v, acc_sh.at[slots[b]],
                                  ssem0 if b % 2 == 0 else ssem1).wait()

        idx_start(0, 0)
        idx_start(1, 1)

        @pl.loop(0, (N_WIN + 3) // 4)
        def _(g):
            for b in range(4):
                w = 4 * g + b

                @pl.when(w < N_WIN)
                def _():
                    idx_wait(w, b)

                    @pl.when(w >= 2)
                    def _():
                        sc_wait((b + 2) % 4)

                    sc_start(b)

                    @pl.when(w + 2 < N_WIN)
                    def _():
                        idx_start(w + 2, (b + 2) % 4)

        sc_wait((N_WIN - 2) % 4)
        sc_wait((N_WIN - 1) % 4)

    @pl.when(is_deg)
    def _():
        deg_loop()

    @pl.when(jnp.logical_not(is_deg))
    def _():
        window_loop()

    plsc.subcore_barrier()
    o0 = c * N_NODES + r0
    pltpu.sync_copy(acc_sh.at[pl.ds(r0, ROWS_PER_S)],
                    out_hbm.at[pl.ds(o0, ROWS_PER_S)])

    @pl.when(s == 0)
    def _():
        pltpu.sync_copy(
            acc_sh.at[pl.ds(NS * ROWS_PER_S, ROWS_TAIL)],
            out_hbm.at[pl.ds(c * N_NODES + NS * ROWS_PER_S, ROWS_TAIL)])


_sc_spmm = pl.kernel(
    _sc_spmm_body,
    out_type=jax.ShapeDtypeStruct((NC * N_NODES, CH), jnp.float32),
    mesh=_MESH,
    compiler_params=pltpu.CompilerParams(needs_layout_passes=False),
    scratch_types=[
        pltpu.VMEM((WIN,), jnp.int32),
        pltpu.VMEM((WIN,), jnp.int32),
        pltpu.VMEM((WIN,), jnp.int32),
        pltpu.VMEM((WIN,), jnp.int32),
        pltpu.VMEM((WIN,), jnp.int32),
        pltpu.VMEM((16,), jnp.int32),
        pltpu.VMEM((WIN, CH), jnp.float32),
        pltpu.SemaphoreType.DMA,
        pltpu.SemaphoreType.DMA,
        pltpu.SemaphoreType.DMA,
        pltpu.SemaphoreType.DMA,
        pltpu.VMEM_SHARED((N_NODES, CH), jnp.float32),
    ],
)


_BLK = 1000
_GRID = N_NODES // _BLK


def _tc_step_body(sa_ref, sb_ref, x_ref, w_ref, b_ref, kb_ref,
                  dis_ref, acc_ref, disn_ref, y_ref, accn_ref):
    k = kb_ref[0, 0]
    mode0 = k == 0.0
    s = sa_ref[...] + sb_ref[...]
    d0 = s[:, 0:1]
    disc = jnp.where(d0 > 0, lax.rsqrt(jnp.maximum(d0, 1.0)), 0.0)
    dis = jnp.where(mode0, disc, dis_ref[:, 0:1])
    disn_ref[...] = jnp.broadcast_to(dis, (_BLK, 16))
    f = jnp.where(k == 1.0, 1.0, 2.0)
    sub = jnp.where(k == 2.0, 1.0, 0.0)
    t = -(f * (dis * s)) - sub * x_ref[...]
    y_ref[...] = jnp.where(mode0, dis * x_ref[...], dis * t)
    lhs = jnp.where(mode0, x_ref[...], t)
    base = jnp.where(mode0, jnp.broadcast_to(b_ref[...], (_BLK, CH)),
                     acc_ref[...])
    accn_ref[...] = base + jnp.dot(lhs, w_ref[...],
                                   preferred_element_type=jnp.float32,
                                   precision=lax.Precision.HIGHEST)


def _rows_spec(width):
    return pl.BlockSpec((_BLK, width), lambda i: (i, 0))


def _full_spec(shape):
    return pl.BlockSpec(shape, lambda i: (0,) * len(shape))


_tc_step = pl.pallas_call(
    _tc_step_body,
    grid=(_GRID,),
    in_specs=[_rows_spec(CH), _rows_spec(CH), _rows_spec(CH),
              _full_spec((CH, CH)), _full_spec((1, CH)), _full_spec((1, CH)),
              _rows_spec(16), _rows_spec(CH)],
    out_specs=[_rows_spec(16), _rows_spec(CH), _rows_spec(CH)],
    out_shape=[
        jax.ShapeDtypeStruct((N_NODES, 16), jnp.float32),
        jax.ShapeDtypeStruct((N_NODES, CH), jnp.float32),
        jax.ShapeDtypeStruct((N_NODES, CH), jnp.float32),
    ],
)


def kernel(x, edge_index, weight, bias):
    row = edge_index[0]
    col = edge_index[1]
    zeros128 = jnp.zeros((N_NODES, CH), jnp.float32)
    ones_win = jnp.ones((WIN, CH), jnp.float32)
    seq_win = jnp.arange(WIN, dtype=jnp.int32)
    bias2d = bias.reshape(1, CH)

    limit = lax.optimization_barrier(jnp.int32(3))

    def cond(carry):
        k = carry[0]
        return k < limit

    def body(carry):
        k, y, dis16, acc = carry
        flag16 = jnp.full((16,), 1, jnp.int32) * (k == 0).astype(jnp.int32)
        w_k = lax.dynamic_index_in_dim(weight, k, 0, keepdims=False)
        kb = jnp.full((1, CH), 1.0, jnp.float32) * k.astype(jnp.float32)
        sp = _sc_spmm(y, row, col, ones_win, seq_win, zeros128, flag16)
        dis16n, y_next, acc_next = _tc_step(
            sp[:N_NODES], sp[N_NODES:], x, w_k, bias2d, kb, dis16, acc)
        return (k + 1, y_next, dis16n, acc_next)

    carry0 = (jnp.int32(0), x, jnp.zeros((N_NODES, 16), jnp.float32),
              jnp.zeros((N_NODES, CH), jnp.float32))
    _, _, _, out = lax.while_loop(cond, body, carry0)
    return out

# --- scband reference (transcript-rebuilt; emitter-appended) ---
"""Pipeline reference for scband-cheb-conv-25391846654262 (READ-ONLY COPY).

The authoritative reference and input builder live on the scoring server;
editing this copy changes nothing except your own understanding.
"""

import jax, jax.numpy as jnp
import numpy as np
import math

N_NODES = 10000
N_EDGES = 320000
IN_CH = 128
OUT_CH = 128
K_PLUS_1 = 3  # weight.size(0) = K + 1 with K=2


def setup_inputs(seed: int = 0) -> dict:
    key = jax.random.key(seed)
    k1, k2, k3, k4 = jax.random.split(key, 4)
    x = jax.random.normal(k1, (N_NODES, IN_CH), dtype=jnp.float32)
    edge_index = jax.random.randint(k2, (2, N_EDGES), 0, N_NODES, dtype=jnp.int32)
    # reset_parameters: uniform(size=in_channels * weight.size(0)) -> bound = 1/sqrt(size)
    size = IN_CH * K_PLUS_1
    bound = 1.0 / math.sqrt(size)
    weight = jax.random.uniform(k3, (K_PLUS_1, IN_CH, OUT_CH), minval=-bound, maxval=bound, dtype=jnp.float32)
    bias = jax.random.uniform(k4, (OUT_CH,), minval=-bound, maxval=bound, dtype=jnp.float32)
    return {"x": x, "edge_index": edge_index, "weight": weight, "bias": bias}


def reference(x, edge_index, weight, bias):
    row = edge_index[0]
    col = edge_index[1]
    num_nodes = x.shape[0]
    num_edges = row.shape[0]
    Kp1 = weight.shape[0]
    # edge_attr defaults to ones
    edge_attr = jnp.ones((num_edges,), dtype=x.dtype)
    # degree(row, num_nodes)
    deg = jax.ops.segment_sum(jnp.ones((num_edges,), dtype=x.dtype), row, num_segments=num_nodes)
    # deg^-0.5 with inf -> 0
    deg_inv_sqrt = jnp.where(deg > 0, 1.0 / jnp.sqrt(jnp.where(deg > 0, deg, 1.0)), 0.0)
    lap = -deg_inv_sqrt[row] * edge_attr * deg_inv_sqrt[col]

    def spmm(vals, mat):
        # sparse [num_nodes, num_nodes] with A[row, col] = vals, times mat
        return jax.ops.segment_sum(vals[:, None] * mat[col], row, num_segments=num_nodes)

    Tx_0 = x
    out = Tx_0 @ weight[0]
    Tx_1 = Tx_0
    if Kp1 > 1:
        Tx_1 = spmm(lap, x)
        out = out + Tx_1 @ weight[1]
    for k in range(2, Kp1):
        Tx_2 = 2.0 * spmm(lap, Tx_1) - Tx_0
        out = out + Tx_2 @ weight[k]
        Tx_0, Tx_1 = Tx_1, Tx_2
    out = out + bias
    return out


if False:  # reference __main__ guard neutralized (emitter)
    inp = setup_inputs()
    o = reference(**inp)
    print(o.shape, o.dtype)

if __name__ == "__main__":
    import jax
    _d = setup_inputs()
    print(jax.jit(kernel)(*tuple(_d.values())))

</pallas_src>

<mosaic_0001>
#map = affine_map<(d0, d1) -> (0, 0)>
#map1 = affine_map<(d0, d1) -> (0)>
module attributes {stable_mosaic.version = 14 : i64} {
  func.func @_sc_spmm_body(%arg0: i32, %arg1: i32, %arg2: memref<10000x128xf32, #tpu.memory_space<hbm>>, %arg3: memref<320000xi32, #tpu.memory_space<hbm>>, %arg4: memref<320000xi32, #tpu.memory_space<hbm>>, %arg5: memref<40x128xf32, #tpu.memory_space<hbm>>, %arg6: memref<40xi32, #tpu.memory_space<hbm>>, %arg7: memref<10000x128xf32, #tpu.memory_space<hbm>>, %arg8: memref<16xi32, #tpu.memory_space<hbm>>, %arg9: memref<20000x128xf32, #tpu.memory_space<hbm>>, %arg10: memref<40xi32, #tpu.memory_space<vmem>>, %arg11: memref<40xi32, #tpu.memory_space<vmem>>, %arg12: memref<40xi32, #tpu.memory_space<vmem>>, %arg13: memref<40xi32, #tpu.memory_space<vmem>>, %arg14: memref<40xi32, #tpu.memory_space<vmem>>, %arg15: memref<16xi32, #tpu.memory_space<vmem>>, %arg16: memref<40x128xf32, #tpu.memory_space<vmem>>, %arg17: memref<!tpu.dma_semaphore, #tpu.memory_space<semaphore_mem>>, %arg18: memref<!tpu.dma_semaphore, #tpu.memory_space<semaphore_mem>>, %arg19: memref<!tpu.dma_semaphore, #tpu.memory_space<semaphore_mem>>, %arg20: memref<!tpu.dma_semaphore, #tpu.memory_space<semaphore_mem>>, %arg21: memref<10000x128xf32, #tpu.memory_space<vmem_shared>>) attributes {dimension_semantics = [#tpu.dimension_semantics<core_parallel>, #tpu.dimension_semantics<subcore_parallel>], iteration_bounds = array<i64: 2, 16>, scalar_prefetch = 0 : i64, scratch_operands = 12 : i64, tpu.core_type = #tpu.core_type<sc_vector_subcore>, window_params = [{transform_indices = #map}, {transform_indices = #map1}, {transform_indices = #map1}, {transform_indices = #map}, {transform_indices = #map1}, {transform_indices = #map}, {transform_indices = #map1}, {transform_indices = #map}]} {
    %mul3A = arith.constant 2 : i32
    %mul3A_0 = arith.muli %arg1, %mul3A : i32
    %add3A = arith.addi %mul3A_0, %arg0 : i32
    %mul3A_1 = arith.constant 624 : i32
    %mul3A_2 = arith.muli %arg1, %mul3A_1 : i32
    "tpu.region"() ({
      %run_scoped3A = tpu.sem_alloc : memref<!tpu.dma_semaphore, #tpu.memory_space<semaphore_mem>>
      tpu.enqueue_dma source(%arg6 : memref<40xi32, #tpu.memory_space<hbm>>) target(%arg14 : memref<40xi32, #tpu.memory_space<vmem>>) target_semaphore(%run_scoped3A : memref<!tpu.dma_semaphore, #tpu.memory_space<semaphore_mem>>)
      tpu.wait_dma2 semaphore(%run_scoped3A : memref<!tpu.dma_semaphore, #tpu.memory_space<semaphore_mem>>) src(%arg6 : memref<40xi32, #tpu.memory_space<hbm>>) dst(%arg14 : memref<40xi32, #tpu.memory_space<vmem>>)
      tpu.yield
    }) : () -> ()
    "tpu.region"() ({
      %run_scoped3A = tpu.sem_alloc : memref<!tpu.dma_semaphore, #tpu.memory_space<semaphore_mem>>
      %dma_start3A = arith.constant 0 : i32
      %dma_start3A_33 = arith.constant 0 : i32
      %dma_start3A_34 = tpu.memref_slice %arg5[%dma_start3A, %dma_start3A_33] : memref<40x128xf32, #tpu.memory_space<hbm>> -> memref<40x128xf32, #tpu.memory_space<hbm>>
      tpu.enqueue_indirect_dma source(%dma_start3A_34 : memref<40x128xf32, #tpu.memory_space<hbm>>) target(%arg16 : memref<40x128xf32, #tpu.memory_space<vmem>>) offsets(%arg14 : memref<40xi32, #tpu.memory_space<vmem>>) semaphore(%run_scoped3A : memref<!tpu.dma_semaphore, #tpu.memory_space<semaphore_mem>>)
      %dma_wait3A = arith.constant 0 : i32
      %dma_wait3A_35 = arith.constant 0 : i32
      %dma_wait3A_36 = tpu.memref_slice %arg5[%dma_wait3A, %dma_wait3A_35] : memref<40x128xf32, #tpu.memory_space<hbm>> -> memref<40x128xf32, #tpu.memory_space<hbm>>
      tpu.wait_indirect_dma semaphore(%run_scoped3A : memref<!tpu.dma_semaphore, #tpu.memory_space<semaphore_mem>>) src(%dma_wait3A_36 : memref<40x128xf32, #tpu.memory_space<hbm>>) dst(%arg16 : memref<40x128xf32, #tpu.memory_space<vmem>>)
      tpu.yield
    }) : () -> ()
    "tpu.region"() ({
      %run_scoped3A = tpu.sem_alloc : memref<!tpu.dma_semaphore, #tpu.memory_space<semaphore_mem>>
      %dma_start3A = arith.constant 0 : i32
      %dma_start3A_33 = tpu.memref_slice %arg21[%mul3A_2, %dma_start3A] : memref<10000x128xf32, #tpu.memory_space<vmem_shared>> -> memref<624x128xf32, #tpu.memory_space<vmem_shared>>
      %dma_start3A_34 = arith.constant 0 : i32
      %dma_start3A_35 = tpu.memref_slice %arg7[%mul3A_2, %dma_start3A_34] : memref<10000x128xf32, #tpu.memory_space<hbm>> -> memref<624x128xf32, #tpu.memory_space<hbm>>
      tpu.enqueue_dma source(%dma_start3A_35 : memref<624x128xf32, #tpu.memory_space<hbm>>) target(%dma_start3A_33 : memref<624x128xf32, #tpu.memory_space<vmem_shared>>) target_semaphore(%run_scoped3A : memref<!tpu.dma_semaphore, #tpu.memory_space<semaphore_mem>>)
      %dma_wait3A = arith.constant 0 : i32
      %dma_wait3A_36 = tpu.memref_slice %arg21[%mul3A_2, %dma_wait3A] : memref<10000x128xf32, #tpu.memory_space<vmem_shared>> -> memref<624x128xf32, #tpu.memory_space<vmem_shared>>
      %dma_wait3A_37 = arith.constant 0 : i32
      %dma_wait3A_38 = tpu.memref_slice %arg7[%mul3A_2, %dma_wait3A_37] : memref<10000x128xf32, #tpu.memory_space<hbm>> -> memref<624x128xf32, #tpu.memory_space<hbm>>
      tpu.wait_dma2 semaphore(%run_scoped3A : memref<!tpu.dma_semaphore, #tpu.memory_space<semaphore_mem>>) src(%dma_wait3A_38 : memref<624x128xf32, #tpu.memory_space<hbm>>) dst(%dma_wait3A_36 : memref<624x128xf32, #tpu.memory_space<vmem_shared>>)
      tpu.yield
    }) : () -> ()
    %eq3A = arith.constant 0 : i32
    %eq3A_3 = arith.cmpi eq, %arg1, %eq3A : i32
    %convert_element_type3A = arith.extui %eq3A_3 : i1 to i32
    %cond3A = arith.constant 0 : i32
    %cond3A_4 = arith.cmpi ne, %convert_element_type3A, %cond3A : i32
    scf.if %cond3A_4 {
      "tpu.region"() ({
        %run_scoped3A = tpu.sem_alloc : memref<!tpu.dma_semaphore, #tpu.memory_space<semaphore_mem>>
        %dma_start3A = arith.constant 9984 : i32
        %dma_start3A_33 = arith.constant 0 : i32
        %dma_start3A_34 = tpu.memref_slice %arg21[%dma_start3A, %dma_start3A_33] : memref<10000x128xf32, #tpu.memory_space<vmem_shared>> -> memref<16x128xf32, #tpu.memory_space<vmem_shared>>
        %dma_start3A_35 = arith.constant 9984 : i32
        %dma_start3A_36 = arith.constant 0 : i32
        %dma_start3A_37 = tpu.memref_slice %arg7[%dma_start3A_35, %dma_start3A_36] : memref<10000x128xf32, #tpu.memory_space<hbm>> -> memref<16x128xf32, #tpu.memory_space<hbm>>
        tpu.enqueue_dma source(%dma_start3A_37 : memref<16x128xf32, #tpu.memory_space<hbm>>) target(%dma_start3A_34 : memref<16x128xf32, #tpu.memory_space<vmem_shared>>) target_semaphore(%run_scoped3A : memref<!tpu.dma_semaphore, #tpu.memory_space<semaphore_mem>>)
        %dma_wait3A = arith.constant 9984 : i32
        %dma_wait3A_38 = arith.constant 0 : i32
        %dma_wait3A_39 = tpu.memref_slice %arg21[%dma_wait3A, %dma_wait3A_38] : memref<10000x128xf32, #tpu.memory_space<vmem_shared>> -> memref<16x128xf32, #tpu.memory_space<vmem_shared>>
        %dma_wait3A_40 = arith.constant 9984 : i32
        %dma_wait3A_41 = arith.constant 0 : i32
        %dma_wait3A_42 = tpu.memref_slice %arg7[%dma_wait3A_40, %dma_wait3A_41] : memref<10000x128xf32, #tpu.memory_space<hbm>> -> memref<16x128xf32, #tpu.memory_space<hbm>>
        tpu.wait_dma2 semaphore(%run_scoped3A : memref<!tpu.dma_semaphore, #tpu.memory_space<semaphore_mem>>) src(%dma_wait3A_42 : memref<16x128xf32, #tpu.memory_space<hbm>>) dst(%dma_wait3A_39 : memref<16x128xf32, #tpu.memory_space<vmem_shared>>)
        tpu.yield
      }) : () -> ()
    } else {
    }
    "tpu.region"() ({
      %run_scoped3A = tpu.sem_alloc : memref<!tpu.dma_semaphore, #tpu.memory_space<semaphore_mem>>
      tpu.enqueue_dma source(%arg8 : memref<16xi32, #tpu.memory_space<hbm>>) target(%arg15 : memref<16xi32, #tpu.memory_space<vmem>>) target_semaphore(%run_scoped3A : memref<!tpu.dma_semaphore, #tpu.memory_space<semaphore_mem>>)
      tpu.wait_dma2 semaphore(%run_scoped3A : memref<!tpu.dma_semaphore, #tpu.memory_space<semaphore_mem>>) src(%arg8 : memref<16xi32, #tpu.memory_space<hbm>>) dst(%arg15 : memref<16xi32, #tpu.memory_space<vmem>>)
      tpu.yield
    }) : () -> ()
    %barrier3A = arith.constant 0 : index
    tpu.barrier barrier_id(%barrier3A)
    %get3A = arith.constant 0 : index
    %get3A_5 = tpu.vector_load %arg15[%get3A] {strides = array<i32>} : memref<16xi32, #tpu.memory_space<vmem>>, vector<16xi32>,
    %reduce_max3A = arith.constant true
    %reduce_max3A_6 = vector.broadcast %reduce_max3A : i1 to vector<16xi1>
    %reduce_max3A_7 = arith.constant -2147483648 : i32
    %reduce_max3A_8 = vector.broadcast %reduce_max3A_7 : i32 to vector<16xi32>
    %reduce_max3A_9 = arith.xori %get3A_5, %reduce_max3A_8 : vector<16xi32>
    %reduce_max3A_10 = tpu.scan <max>, %reduce_max3A_9 masked %reduce_max3A_6 : vector<16xi32>, vector<16xi1> -> vector<16xi32>
    %reduce_max3A_11 = arith.xori %reduce_max3A_10, %reduce_max3A_8 : vector<16xi32>
    %reduce_max3A_12 = vector.extract %reduce_max3A_11[15] : i32 from vector<16xi32>
    %eq3A_13 = arith.constant 1 : i32
    %eq3A_14 = arith.cmpi eq, %reduce_max3A_12, %eq3A_13 : i32
    %mul3A_15 = arith.constant 10000 : i32
    %mul3A_16 = arith.muli %add3A, %mul3A_15 : i32
    %convert_element_type3A_17 = arith.extui %eq3A_14 : i1 to i32
    %cond3A_18 = arith.constant 0 : i32
    %cond3A_19 = arith.cmpi ne, %convert_element_type3A_17, %cond3A_18 : i32
    scf.if %cond3A_19 {
      %add3A_33 = arith.constant 0 : i32
      %add3A_34 = arith.addi %mul3A_16, %add3A_33 : i32
      %dma_start3A = tpu.memref_slice %arg3[%add3A_34] : memref<320000xi32, #tpu.memory_space<hbm>> -> memref<40xi32, #tpu.memory_space<hbm>>
      %dma_start3A_35 = tpu.memref_slice %arg3[%add3A_34] : memref<320000xi32, #tpu.memory_space<hbm>> -> memref<40xi32, #tpu.memory_space<hbm>>
      tpu.enqueue_dma source(%dma_start3A_35 : memref<40xi32, #tpu.memory_space<hbm>>) target(%arg10 : memref<40xi32, #tpu.memory_space<vmem>>) target_semaphore(%arg17 : memref<!tpu.dma_semaphore, #tpu.memory_space<semaphore_mem>>)
      %add3A_36 = arith.constant 40 : i32
      %add3A_37 = arith.addi %mul3A_16, %add3A_36 : i32
      %dma_start3A_38 = tpu.memref_slice %arg3[%add3A_37] : memref<320000xi32, #tpu.memory_space<hbm>> -> memref<40xi32, #tpu.memory_space<hbm>>
      %dma_start3A_39 = tpu.memref_slice %arg3[%add3A_37] : memref<320000xi32, #tpu.memory_space<hbm>> -> memref<40xi32, #tpu.memory_space<hbm>>
      tpu.enqueue_dma source(%dma_start3A_39 : memref<40xi32, #tpu.memory_space<hbm>>) target(%arg12 : memref<40xi32, #tpu.memory_space<vmem>>) target_semaphore(%arg18 : memref<!tpu.dma_semaphore, #tpu.memory_space<semaphore_mem>>)
      %scan3A = arith.constant 0 : i32
      %scan3A_40 = arith.constant 63 : i32
      %scan3A_41 = arith.addi %scan3A, %scan3A_40 : i32
      %scan3A_42 = arith.constant 1 : i32
      scf.for %scan3A_49 = %scan3A to %scan3A_41 step %scan3A_42  : i32 {
        %mul3A_50 = arith.constant 1 : i32
        %mul3A_51 = arith.muli %scan3A_49, %mul3A_50 : i32
        %add3A_52 = arith.constant 0 : i32
        %add3A_53 = arith.addi %add3A_52, %mul3A_51 : i32
        %mul3A_54 = arith.constant 4 : i32
        %mul3A_55 = arith.muli %mul3A_54, %add3A_53 : i32
        %add3A_56 = arith.constant 0 : i32
        %add3A_57 = arith.addi %mul3A_55, %add3A_56 : i32
        %lt3A = arith.constant 250 : i32
        %lt3A_58 = arith.cmpi slt, %add3A_57, %lt3A : i32
        %convert_element_type3A_59 = arith.extui %lt3A_58 : i1 to i32
        %cond3A_60 = arith.constant 0 : i32
        %cond3A_61 = arith.cmpi ne, %convert_element_type3A_59, %cond3A_60 : i32
        scf.if %cond3A_61 {
          %mul3A_89 = arith.constant 40 : i32
          %mul3A_90 = arith.muli %add3A_57, %mul3A_89 : i32
          %add3A_91 = arith.addi %mul3A_16, %mul3A_90 : i32
          %dma_wait3A_92 = tpu.memref_slice %arg3[%add3A_91] : memref<320000xi32, #tpu.memory_space<hbm>> -> memref<40xi32, #tpu.memory_space<hbm>>
          %dma_wait3A_93 = tpu.memref_slice %arg3[%add3A_91] : memref<320000xi32, #tpu.memory_space<hbm>> -> memref<40xi32, #tpu.memory_space<hbm>>
          tpu.wait_dma2 semaphore(%arg17 : memref<!tpu.dma_semaphore, #tpu.memory_space<semaphore_mem>>) src(%dma_wait3A_93 : memref<40xi32, #tpu.memory_space<hbm>>) dst(%arg10 : memref<40xi32, #tpu.memory_space<vmem>>)
          %ge3A = arith.constant 2 : i32
          %ge3A_94 = arith.cmpi sge, %add3A_57, %ge3A : i32
          %convert_element_type3A_95 = arith.extui %ge3A_94 : i1 to i32
          %cond3A_96 = arith.constant 0 : i32
          %cond3A_97 = arith.cmpi ne, %convert_element_type3A_95, %cond3A_96 : i32
          scf.if %cond3A_97 {
            %dma_wait3A_108 = arith.constant 0 : i32
            %dma_wait3A_109 = arith.constant 0 : i32
            %dma_wait3A_110 = tpu.memref_slice %arg21[%dma_wait3A_108, %dma_wait3A_109] : memref<10000x128xf32, #tpu.memory_space<vmem_shared>> -> memref<10000x128xf32, #tpu.memory_space<vmem_shared>>
            tpu.wait_indirect_dma semaphore(%arg19 : memref<!tpu.dma_semaphore, #tpu.memory_space<semaphore_mem>>) src(%arg16 : memref<40x128xf32, #tpu.memory_space<vmem>>) dst(%dma_wait3A_110 : memref<10000x128xf32, #tpu.memory_space<vmem_shared>>)
          } else {
          }
          %dma_start3A_98 = arith.constant 0 : i32
          %dma_start3A_99 = arith.constant 0 : i32
          %dma_start3A_100 = tpu.memref_slice %arg21[%dma_start3A_98, %dma_start3A_99] : memref<10000x128xf32, #tpu.memory_space<vmem_shared>> -> memref<10000x128xf32, #tpu.memory_space<vmem_shared>>
          tpu.enqueue_indirect_dma source(%arg16 : memref<40x128xf32, #tpu.memory_space<vmem>>) target(%dma_start3A_100 : memref<10000x128xf32, #tpu.memory_space<vmem_shared>>) offsets(%arg10 : memref<40xi32, #tpu.memory_space<vmem>>) semaphore(%arg19 : memref<!tpu.dma_semaphore, #tpu.memory_space<semaphore_mem>>) {add = true}
          %add3A_101 = arith.constant 2 : i32
          %add3A_102 = arith.addi %add3A_57, %add3A_101 : i32
          %lt3A_103 = arith.constant 250 : i32
          %lt3A_104 = arith.cmpi slt, %add3A_102, %lt3A_103 : i32
          %convert_element_type3A_105 = arith.extui %lt3A_104 : i1 to i32
          %cond3A_106 = arith.constant 0 : i32
          %cond3A_107 = arith.cmpi ne, %convert_element_type3A_105, %cond3A_106 : i32
          scf.if %cond3A_107 {
            %add3A_108 = arith.constant 2 : i32
            %add3A_109 = arith.addi %add3A_57, %add3A_108 : i32
            %mul3A_110 = arith.constant 40 : i32
            %mul3A_111 = arith.muli %add3A_109, %mul3A_110 : i32
            %add3A_112 = arith.addi %mul3A_16, %mul3A_111 : i32
            %dma_start3A_113 = tpu.memref_slice %arg3[%add3A_112] : memref<320000xi32, #tpu.memory_space<hbm>> -> memref<40xi32, #tpu.memory_space<hbm>>
            %dma_start3A_114 = tpu.memref_slice %arg3[%add3A_112] : memref<320000xi32, #tpu.memory_space<hbm>> -> memref<40xi32, #tpu.memory_space<hbm>>
            tpu.enqueue_dma source(%dma_start3A_114 : memref<40xi32, #tpu.memory_space<hbm>>) target(%arg11 : memref<40xi32, #tpu.memory_space<vmem>>) target_semaphore(%arg17 : memref<!tpu.dma_semaphore, #tpu.memory_space<semaphore_mem>>)
          } else {
          }
        } else {
        }
        %mul3A_62 = arith.constant 4 : i32
        %mul3A_63 = arith.muli %mul3A_62, %add3A_53 : i32
        %add3A_64 = arith.constant 1 : i32
        %add3A_65 = arith.addi %mul3A_63, %add3A_64 : i32
        %lt3A_66 = arith.constant 250 : i32
        %lt3A_67 = arith.cmpi slt, %add3A_65, %lt3A_66 : i32
        %convert_element_type3A_68 = arith.extui %lt3A_67 : i1 to i32
        %cond3A_69 = arith.constant 0 : i32
        %cond3A_70 = arith.cmpi ne, %convert_element_type3A_68, %cond3A_69 : i32
        scf.if %cond3A_70 {
          %mul3A_89 = arith.constant 40 : i32
          %mul3A_90 = arith.muli %add3A_65, %mul3A_89 : i32
          %add3A_91 = arith.addi %mul3A_16, %mul3A_90 : i32
          %dma_wait3A_92 = tpu.memref_slice %arg3[%add3A_91] : memref<320000xi32, #tpu.memory_space<hbm>> -> memref<40xi32, #tpu.memory_space<hbm>>
          %dma_wait3A_93 = tpu.memref_slice %arg3[%add3A_91] : memref<320000xi32, #tpu.memory_space<hbm>> -> memref<40xi32, #tpu.memory_space<hbm>>
          tpu.wait_dma2 semaphore(%arg18 : memref<!tpu.dma_semaphore, #tpu.memory_space<semaphore_mem>>) src(%dma_wait3A_93 : memref<40xi32, #tpu.memory_space<hbm>>) dst(%arg12 : memref<40xi32, #tpu.memory_space<vmem>>)
          %ge3A = arith.constant 2 : i32
          %ge3A_94 = arith.cmpi sge, %add3A_65, %ge3A : i32
          %convert_element_type3A_95 = arith.extui %ge3A_94 : i1 to i32
          %cond3A_96 = arith.constant 0 : i32
          %cond3A_97 = arith.cmpi ne, %convert_element_type3A_95, %cond3A_96 : i32
          scf.if %cond3A_97 {
            %dma_wait3A_108 = arith.constant 0 : i32
            %dma_wait3A_109 = arith.constant 0 : i32
            %dma_wait3A_110 = tpu.memref_slice %arg21[%dma_wait3A_108, %dma_wait3A_109] : memref<10000x128xf32, #tpu.memory_space<vmem_shared>> -> memref<10000x128xf32, #tpu.memory_space<vmem_shared>>
            tpu.wait_indirect_dma semaphore(%arg20 : memref<!tpu.dma_semaphore, #tpu.memory_space<semaphore_mem>>) src(%arg16 : memref<40x128xf32, #tpu.memory_space<vmem>>) dst(%dma_wait3A_110 : memref<10000x128xf32, #tpu.memory_space<vmem_shared>>)
          } else {
          }
          %dma_start3A_98 = arith.constant 0 : i32
          %dma_start3A_99 = arith.constant 0 : i32
          %dma_start3A_100 = tpu.memref_slice %arg21[%dma_start3A_98, %dma_start3A_99] : memref<10000x128xf32, #tpu.memory_space<vmem_shared>> -> memref<10000x128xf32, #tpu.memory_space<vmem_shared>>
          tpu.enqueue_indirect_dma source(%arg16 : memref<40x128xf32, #tpu.memory_space<vmem>>) target(%dma_start3A_100 : memref<10000x128xf32, #tpu.memory_space<vmem_shared>>) offsets(%arg12 : memref<40xi32, #tpu.memory_space<vmem>>) semaphore(%arg20 : memref<!tpu.dma_semaphore, #tpu.memory_space<semaphore_mem>>) {add = true}
          %add3A_101 = arith.constant 2 : i32
          %add3A_102 = arith.addi %add3A_65, %add3A_101 : i32
          %lt3A_103 = arith.constant 250 : i32
          %lt3A_104 = arith.cmpi slt, %add3A_102, %lt3A_103 : i32
          %convert_element_type3A_105 = arith.extui %lt3A_104 : i1 to i32
          %cond3A_106 = arith.constant 0 : i32
          %cond3A_107 = arith.cmpi ne, %convert_element_type3A_105, %cond3A_106 : i32
          scf.if %cond3A_107 {
            %add3A_108 = arith.constant 2 : i32
            %add3A_109 = arith.addi %add3A_65, %add3A_108 : i32
            %mul3A_110 = arith.constant 40 : i32
            %mul3A_111 = arith.muli %add3A_109, %mul3A_110 : i32
            %add3A_112 = arith.addi %mul3A_16, %mul3A_111 : i32
            %dma_start3A_113 = tpu.memref_slice %arg3[%add3A_112] : memref<320000xi32, #tpu.memory_space<hbm>> -> memref<40xi32, #tpu.memory_space<hbm>>
            %dma_start3A_114 = tpu.memref_slice %arg3[%add3A_112] : memref<320000xi32, #tpu.memory_space<hbm>> -> memref<40xi32, #tpu.memory_space<hbm>>
            tpu.enqueue_dma source(%dma_start3A_114 : memref<40xi32, #tpu.memory_space<hbm>>) target(%arg13 : memref<40xi32, #tpu.memory_space<vmem>>) target_semaphore(%arg18 : memref<!tpu.dma_semaphore, #tpu.memory_space<semaphore_mem>>)
          } else {
          }
        } else {
        }
        %mul3A_71 = arith.constant 4 : i32
        %mul3A_72 = arith.muli %mul3A_71, %add3A_53 : i32
        %add3A_73 = arith.constant 2 : i32
        %add3A_74 = arith.addi %mul3A_72, %add3A_73 : i32
        %lt3A_75 = arith.constant 250 : i32
        %lt3A_76 = arith.cmpi slt, %add3A_74, %lt3A_75 : i32
        %convert_element_type3A_77 = arith.extui %lt3A_76 : i1 to i32
        %cond3A_78 = arith.constant 0 : i32
        %cond3A_79 = arith.cmpi ne, %convert_element_type3A_77, %cond3A_78 : i32
        scf.if %cond3A_79 {
          %mul3A_89 = arith.constant 40 : i32
          %mul3A_90 = arith.muli %add3A_74, %mul3A_89 : i32
          %add3A_91 = arith.addi %mul3A_16, %mul3A_90 : i32
          %dma_wait3A_92 = tpu.memref_slice %arg3[%add3A_91] : memref<320000xi32, #tpu.memory_space<hbm>> -> memref<40xi32, #tpu.memory_space<hbm>>
          %dma_wait3A_93 = tpu.memref_slice %arg3[%add3A_91] : memref<320000xi32, #tpu.memory_space<hbm>> -> memref<40xi32, #tpu.memory_space<hbm>>
          tpu.wait_dma2 semaphore(%arg17 : memref<!tpu.dma_semaphore, #tpu.memory_space<semaphore_mem>>) src(%dma_wait3A_93 : memref<40xi32, #tpu.memory_space<hbm>>) dst(%arg11 : memref<40xi32, #tpu.memory_space<vmem>>)
          %ge3A = arith.constant 2 : i32
          %ge3A_94 = arith.cmpi sge, %add3A_74, %ge3A : i32
          %convert_element_type3A_95 = arith.extui %ge3A_94 : i1 to i32
          %cond3A_96 = arith.constant 0 : i32
          %cond3A_97 = arith.cmpi ne, %convert_element_type3A_95, %cond3A_96 : i32
          scf.if %cond3A_97 {
            %dma_wait3A_108 = arith.constant 0 : i32
            %dma_wait3A_109 = arith.constant 0 : i32
            %dma_wait3A_110 = tpu.memref_slice %arg21[%dma_wait3A_108, %dma_wait3A_109] : memref<10000x128xf32, #tpu.memory_space<vmem_shared>> -> memref<10000x128xf32, #tpu.memory_space<vmem_shared>>
            tpu.wait_indirect_dma semaphore(%arg19 : memref<!tpu.dma_semaphore, #tpu.memory_space<semaphore_mem>>) src(%arg16 : memref<40x128xf32, #tpu.memory_space<vmem>>) dst(%dma_wait3A_110 : memref<10000x128xf32, #tpu.memory_space<vmem_shared>>)
          } else {
          }
          %dma_start3A_98 = arith.constant 0 : i32
          %dma_start3A_99 = arith.constant 0 : i32
          %dma_start3A_100 = tpu.memref_slice %arg21[%dma_start3A_98, %dma_start3A_99] : memref<10000x128xf32, #tpu.memory_space<vmem_shared>> -> memref<10000x128xf32, #tpu.memory_space<vmem_shared>>
          tpu.enqueue_indirect_dma source(%arg16 : memref<40x128xf32, #tpu.memory_space<vmem>>) target(%dma_start3A_100 : memref<10000x128xf32, #tpu.memory_space<vmem_shared>>) offsets(%arg11 : memref<40xi32, #tpu.memory_space<vmem>>) semaphore(%arg19 : memref<!tpu.dma_semaphore, #tpu.memory_space<semaphore_mem>>) {add = true}
          %add3A_101 = arith.constant 2 : i32
          %add3A_102 = arith.addi %add3A_74, %add3A_101 : i32
          %lt3A_103 = arith.constant 250 : i32
          %lt3A_104 = arith.cmpi slt, %add3A_102, %lt3A_103 : i32
          %convert_element_type3A_105 = arith.extui %lt3A_104 : i1 to i32
          %cond3A_106 = arith.constant 0 : i32
          %cond3A_107 = arith.cmpi ne, %convert_element_type3A_105, %cond3A_106 : i32
          scf.if %cond3A_107 {
            %add3A_108 = arith.constant 2 : i32
            %add3A_109 = arith.addi %add3A_74, %add3A_108 : i32
            %mul3A_110 = arith.constant 40 : i32
            %mul3A_111 = arith.muli %add3A_109, %mul3A_110 : i32
            %add3A_112 = arith.addi %mul3A_16, %mul3A_111 : i32
            %dma_start3A_113 = tpu.memref_slice %arg3[%add3A_112] : memref<320000xi32, #tpu.memory_space<hbm>> -> memref<40xi32, #tpu.memory_space<hbm>>
            %dma_start3A_114 = tpu.memref_slice %arg3[%add3A_112] : memref<320000xi32, #tpu.memory_space<hbm>> -> memref<40xi32, #tpu.memory_space<hbm>>
            tpu.enqueue_dma source(%dma_start3A_114 : memref<40xi32, #tpu.memory_space<hbm>>) target(%arg10 : memref<40xi32, #tpu.memory_space<vmem>>) target_semaphore(%arg17 : memref<!tpu.dma_semaphore, #tpu.memory_space<semaphore_mem>>)
          } else {
          }
        } else {
        }
        %mul3A_80 = arith.constant 4 : i32
        %mul3A_81 = arith.muli %mul3A_80, %add3A_53 : i32
        %add3A_82 = arith.constant 3 : i32
        %add3A_83 = arith.addi %mul3A_81, %add3A_82 : i32
        %lt3A_84 = arith.constant 250 : i32
        %lt3A_85 = arith.cmpi slt, %add3A_83, %lt3A_84 : i32
        %convert_element_type3A_86 = arith.extui %lt3A_85 : i1 to i32
        %cond3A_87 = arith.constant 0 : i32
        %cond3A_88 = arith.cmpi ne, %convert_element_type3A_86, %cond3A_87 : i32
        scf.if %cond3A_88 {
          %mul3A_89 = arith.constant 40 : i32
          %mul3A_90 = arith.muli %add3A_83, %mul3A_89 : i32
          %add3A_91 = arith.addi %mul3A_16, %mul3A_90 : i32
          %dma_wait3A_92 = tpu.memref_slice %arg3[%add3A_91] : memref<320000xi32, #tpu.memory_space<hbm>> -> memref<40xi32, #tpu.memory_space<hbm>>
          %dma_wait3A_93 = tpu.memref_slice %arg3[%add3A_91] : memref<320000xi32, #tpu.memory_space<hbm>> -> memref<40xi32, #tpu.memory_space<hbm>>
          tpu.wait_dma2 semaphore(%arg18 : memref<!tpu.dma_semaphore, #tpu.memory_space<semaphore_mem>>) src(%dma_wait3A_93 : memref<40xi32, #tpu.memory_space<hbm>>) dst(%arg13 : memref<40xi32, #tpu.memory_space<vmem>>)
          %ge3A = arith.constant 2 : i32
          %ge3A_94 = arith.cmpi sge, %add3A_83, %ge3A : i32
          %convert_element_type3A_95 = arith.extui %ge3A_94 : i1 to i32
          %cond3A_96 = arith.constant 0 : i32
          %cond3A_97 = arith.cmpi ne, %convert_element_type3A_95, %cond3A_96 : i32
          scf.if %cond3A_97 {
            %dma_wait3A_108 = arith.constant 0 : i32
            %dma_wait3A_109 = arith.constant 0 : i32
            %dma_wait3A_110 = tpu.memref_slice %arg21[%dma_wait3A_108, %dma_wait3A_109] : memref<10000x128xf32, #tpu.memory_space<vmem_shared>> -> memref<10000x128xf32, #tpu.memory_space<vmem_shared>>
            tpu.wait_indirect_dma semaphore(%arg20 : memref<!tpu.dma_semaphore, #tpu.memory_space<semaphore_mem>>) src(%arg16 : memref<40x128xf32, #tpu.memory_space<vmem>>) dst(%dma_wait3A_110 : memref<10000x128xf32, #tpu.memory_space<vmem_shared>>)
          } else {
          }
          %dma_start3A_98 = arith.constant 0 : i32
          %dma_start3A_99 = arith.constant 0 : i32
          %dma_start3A_100 = tpu.memref_slice %arg21[%dma_start3A_98, %dma_start3A_99] : memref<10000x128xf32, #tpu.memory_space<vmem_shared>> -> memref<10000x128xf32, #tpu.memory_space<vmem_shared>>
          tpu.enqueue_indirect_dma source(%arg16 : memref<40x128xf32, #tpu.memory_space<vmem>>) target(%dma_start3A_100 : memref<10000x128xf32, #tpu.memory_space<vmem_shared>>) offsets(%arg13 : memref<40xi32, #tpu.memory_space<vmem>>) semaphore(%arg20 : memref<!tpu.dma_semaphore, #tpu.memory_space<semaphore_mem>>) {add = true}
          %add3A_101 = arith.constant 2 : i32
          %add3A_102 = arith.addi %add3A_83, %add3A_101 : i32
          %lt3A_103 = arith.constant 250 : i32
          %lt3A_104 = arith.cmpi slt, %add3A_102, %lt3A_103 : i32
          %convert_element_type3A_105 = arith.extui %lt3A_104 : i1 to i32
          %cond3A_106 = arith.constant 0 : i32
          %cond3A_107 = arith.cmpi ne, %convert_element_type3A_105, %cond3A_106 : i32
          scf.if %cond3A_107 {
            %add3A_108 = arith.constant 2 : i32
            %add3A_109 = arith.addi %add3A_83, %add3A_108 : i32
            %mul3A_110 = arith.constant 40 : i32
            %mul3A_111 = arith.muli %add3A_109, %mul3A_110 : i32
            %add3A_112 = arith.addi %mul3A_16, %mul3A_111 : i32
            %dma_start3A_113 = tpu.memref_slice %arg3[%add3A_112] : memref<320000xi32, #tpu.memory_space<hbm>> -> memref<40xi32, #tpu.memory_space<hbm>>
            %dma_start3A_114 = tpu.memref_slice %arg3[%add3A_112] : memref<320000xi32, #tpu.memory_space<hbm>> -> memref<40xi32, #tpu.memory_space<hbm>>
            tpu.enqueue_dma source(%dma_start3A_114 : memref<40xi32, #tpu.memory_space<hbm>>) target(%arg12 : memref<40xi32, #tpu.memory_space<vmem>>) target_semaphore(%arg18 : memref<!tpu.dma_semaphore, #tpu.memory_space<semaphore_mem>>)
          } else {
          }
        } else {
        }
      }
      %scan3A_43 = arith.constant 63 : i32
      %dma_wait3A = arith.constant 0 : i32
      %dma_wait3A_44 = arith.constant 0 : i32
      %dma_wait3A_45 = tpu.memref_slice %arg21[%dma_wait3A, %dma_wait3A_44] : memref<10000x128xf32, #tpu.memory_space<vmem_shared>> -> memref<10000x128xf32, #tpu.memory_space<vmem_shared>>
      tpu.wait_indirect_dma semaphore(%arg19 : memref<!tpu.dma_semaphore, #tpu.memory_space<semaphore_mem>>) src(%arg16 : memref<40x128xf32, #tpu.memory_space<vmem>>) dst(%dma_wait3A_45 : memref<10000x128xf32, #tpu.memory_space<vmem_shared>>)
      %dma_wait3A_46 = arith.constant 0 : i32
      %dma_wait3A_47 = arith.constant 0 : i32
      %dma_wait3A_48 = tpu.memref_slice %arg21[%dma_wait3A_46, %dma_wait3A_47] : memref<10000x128xf32, #tpu.memory_space<vmem_shared>> -> memref<10000x128xf32, #tpu.memory_space<vmem_shared>>
      tpu.wait_indirect_dma semaphore(%arg20 : memref<!tpu.dma_semaphore, #tpu.memory_space<semaphore_mem>>) src(%arg16 : memref<40x128xf32, #tpu.memory_space<vmem>>) dst(%dma_wait3A_48 : memref<10000x128xf32, #tpu.memory_space<vmem_shared>>)
    } else {
    }
    %not3A = arith.constant true
    %not3A_20 = arith.xori %eq3A_14, %not3A : i1
    %convert_element_type3A_21 = arith.extui %not3A_20 : i1 to i32
    %cond3A_22 = arith.constant 0 : i32
    %cond3A_23 = arith.cmpi ne, %convert_element_type3A_21, %cond3A_22 : i32
    scf.if %cond3A_23 {
      %add3A_33 = arith.constant 0 : i32
      %add3A_34 = arith.addi %mul3A_16, %add3A_33 : i32
      %dma_start3A = tpu.memref_slice %arg3[%add3A_34] : memref<320000xi32, #tpu.memory_space<hbm>> -> memref<40xi32, #tpu.memory_space<hbm>>
      %dma_start3A_35 = tpu.memref_slice %arg3[%add3A_34] : memref<320000xi32, #tpu.memory_space<hbm>> -> memref<40xi32, #tpu.memory_space<hbm>>
      tpu.enqueue_dma source(%dma_start3A_35 : memref<40xi32, #tpu.memory_space<hbm>>) target(%arg10 : memref<40xi32, #tpu.memory_space<vmem>>) target_semaphore(%arg17 : memref<!tpu.dma_semaphore, #tpu.memory_space<semaphore_mem>>)
      %dma_start3A_36 = tpu.memref_slice %arg4[%add3A_34] : memref<320000xi32, #tpu.memory_space<hbm>> -> memref<40xi32, #tpu.memory_space<hbm>>
      %dma_start3A_37 = tpu.memref_slice %arg4[%add3A_34] : memref<320000xi32, #tpu.memory_space<hbm>> -> memref<40xi32, #tpu.memory_space<hbm>>
      tpu.enqueue_dma source(%dma_start3A_37 : memref<40xi32, #tpu.memory_space<hbm>>) target(%arg11 : memref<40xi32, #tpu.memory_space<vmem>>) target_semaphore(%arg17 : memref<!tpu.dma_semaphore, #tpu.memory_space<semaphore_mem>>)
      %add3A_38 = arith.constant 0 : i32
      %add3A_39 = arith.addi %mul3A_16, %add3A_38 : i32
      %dma_wait3A = tpu.memref_slice %arg3[%add3A_39] : memref<320000xi32, #tpu.memory_space<hbm>> -> memref<40xi32, #tpu.memory_space<hbm>>
      %dma_wait3A_40 = tpu.memref_slice %arg3[%add3A_39] : memref<320000xi32, #tpu.memory_space<hbm>> -> memref<40xi32, #tpu.memory_space<hbm>>
      tpu.wait_dma2 semaphore(%arg17 : memref<!tpu.dma_semaphore, #tpu.memory_space<semaphore_mem>>) src(%dma_wait3A_40 : memref<40xi32, #tpu.memory_space<hbm>>) dst(%arg10 : memref<40xi32, #tpu.memory_space<vmem>>)
      %dma_wait3A_41 = tpu.memref_slice %arg4[%add3A_39] : memref<320000xi32, #tpu.memory_space<hbm>> -> memref<40xi32, #tpu.memory_space<hbm>>
      %dma_wait3A_42 = tpu.memref_slice %arg4[%add3A_39] : memref<320000xi32, #tpu.memory_space<hbm>> -> memref<40xi32, #tpu.memory_space<hbm>>
      tpu.wait_dma2 semaphore(%arg17 : memref<!tpu.dma_semaphore, #tpu.memory_space<semaphore_mem>>) src(%dma_wait3A_42 : memref<40xi32, #tpu.memory_space<hbm>>) dst(%arg11 : memref<40xi32, #tpu.memory_space<vmem>>)
      %scan3A = arith.constant 0 : i32
      %scan3A_43 = arith.constant 125 : i32
      %scan3A_44 = arith.addi %scan3A, %scan3A_43 : i32
      %scan3A_45 = arith.constant 1 : i32
      scf.for %scan3A_47 = %scan3A to %scan3A_44 step %scan3A_45  : i32 {
        %mul3A_48 = arith.constant 1 : i32
        %mul3A_49 = arith.muli %scan3A_47, %mul3A_48 : i32
        %add3A_50 = arith.constant 0 : i32
        %add3A_51 = arith.addi %add3A_50, %mul3A_49 : i32
        %mul3A_52 = arith.constant 2 : i32
        %mul3A_53 = arith.muli %mul3A_52, %add3A_51 : i32
        %add3A_54 = arith.constant 1 : i32
        %add3A_55 = arith.addi %mul3A_53, %add3A_54 : i32
        %mul3A_56 = arith.constant 40 : i32
        %mul3A_57 = arith.muli %add3A_55, %mul3A_56 : i32
        %add3A_58 = arith.addi %mul3A_16, %mul3A_57 : i32
        %dma_start3A_59 = tpu.memref_slice %arg3[%add3A_58] : memref<320000xi32, #tpu.memory_space<hbm>> -> memref<40xi32, #tpu.memory_space<hbm>>
        %dma_start3A_60 = tpu.memref_slice %arg3[%add3A_58] : memref<320000xi32, #tpu.memory_space<hbm>> -> memref<40xi32, #tpu.memory_space<hbm>>
        tpu.enqueue_dma source(%dma_start3A_60 : memref<40xi32, #tpu.memory_space<hbm>>) target(%arg12 : memref<40xi32, #tpu.memory_space<vmem>>) target_semaphore(%arg18 : memref<!tpu.dma_semaphore, #tpu.memory_space<semaphore_mem>>)
        %dma_start3A_61 = tpu.memref_slice %arg4[%add3A_58] : memref<320000xi32, #tpu.memory_space<hbm>> -> memref<40xi32, #tpu.memory_space<hbm>>
        %dma_start3A_62 = tpu.memref_slice %arg4[%add3A_58] : memref<320000xi32, #tpu.memory_space<hbm>> -> memref<40xi32, #tpu.memory_space<hbm>>
        tpu.enqueue_dma source(%dma_start3A_62 : memref<40xi32, #tpu.memory_space<hbm>>) target(%arg13 : memref<40xi32, #tpu.memory_space<vmem>>) target_semaphore(%arg18 : memref<!tpu.dma_semaphore, #tpu.memory_space<semaphore_mem>>)
        "tpu.region"() ({
          %run_scoped3A = tpu.sem_alloc : memref<!tpu.dma_semaphore, #tpu.memory_space<semaphore_mem>>
          %dma_start3A_87 = arith.constant 0 : i32
          %dma_start3A_88 = arith.constant 0 : i32
          %dma_start3A_89 = tpu.memref_slice %arg2[%dma_start3A_87, %dma_start3A_88] : memref<10000x128xf32, #tpu.memory_space<hbm>> -> memref<10000x128xf32, #tpu.memory_space<hbm>>
          tpu.enqueue_indirect_dma source(%dma_start3A_89 : memref<10000x128xf32, #tpu.memory_space<hbm>>) target(%arg16 : memref<40x128xf32, #tpu.memory_space<vmem>>) offsets(%arg11 : memref<40xi32, #tpu.memory_space<vmem>>) semaphore(%run_scoped3A : memref<!tpu.dma_semaphore, #tpu.memory_space<semaphore_mem>>)
          %dma_wait3A_90 = arith.constant 0 : i32
          %dma_wait3A_91 = arith.constant 0 : i32
          %dma_wait3A_92 = tpu.memref_slice %arg2[%dma_wait3A_90, %dma_wait3A_91] : memref<10000x128xf32, #tpu.memory_space<hbm>> -> memref<10000x128xf32, #tpu.memory_space<hbm>>
          tpu.wait_indirect_dma semaphore(%run_scoped3A : memref<!tpu.dma_semaphore, #tpu.memory_space<semaphore_mem>>) src(%dma_wait3A_92 : memref<10000x128xf32, #tpu.memory_space<hbm>>) dst(%arg16 : memref<40x128xf32, #tpu.memory_space<vmem>>)
          tpu.yield
        }) : () -> ()
        "tpu.region"() ({
          %run_scoped3A = tpu.sem_alloc : memref<!tpu.dma_semaphore, #tpu.memory_space<semaphore_mem>>
          %dma_start3A_87 = arith.constant 0 : i32
          %dma_start3A_88 = arith.constant 0 : i32
          %dma_start3A_89 = tpu.memref_slice %arg21[%dma_start3A_87, %dma_start3A_88] : memref<10000x128xf32, #tpu.memory_space<vmem_shared>> -> memref<10000x128xf32, #tpu.memory_space<vmem_shared>>
          tpu.enqueue_indirect_dma source(%arg16 : memref<40x128xf32, #tpu.memory_space<vmem>>) target(%dma_start3A_89 : memref<10000x128xf32, #tpu.memory_space<vmem_shared>>) offsets(%arg10 : memref<40xi32, #tpu.memory_space<vmem>>) semaphore(%run_scoped3A : memref<!tpu.dma_semaphore, #tpu.memory_space<semaphore_mem>>) {add = true}
          %dma_wait3A_90 = arith.constant 0 : i32
          %dma_wait3A_91 = arith.constant 0 : i32
          %dma_wait3A_92 = tpu.memref_slice %arg21[%dma_wait3A_90, %dma_wait3A_91] : memref<10000x128xf32, #tpu.memory_space<vmem_shared>> -> memref<10000x128xf32, #tpu.memory_space<vmem_shared>>
          tpu.wait_indirect_dma semaphore(%run_scoped3A : memref<!tpu.dma_semaphore, #tpu.memory_space<semaphore_mem>>) src(%arg16 : memref<40x128xf32, #tpu.memory_space<vmem>>) dst(%dma_wait3A_92 : memref<10000x128xf32, #tpu.memory_space<vmem_shared>>)
          tpu.yield
        }) : () -> ()
        %add3A_63 = arith.constant 1 : i32
        %add3A_64 = arith.addi %mul3A_53, %add3A_63 : i32
        %mul3A_65 = arith.constant 40 : i32
        %mul3A_66 = arith.muli %add3A_64, %mul3A_65 : i32
        %add3A_67 = arith.addi %mul3A_16, %mul3A_66 : i32
        %dma_wait3A_68 = tpu.memref_slice %arg3[%add3A_67] : memref<320000xi32, #tpu.memory_space<hbm>> -> memref<40xi32, #tpu.memory_space<hbm>>
        %dma_wait3A_69 = tpu.memref_slice %arg3[%add3A_67] : memref<320000xi32, #tpu.memory_space<hbm>> -> memref<40xi32, #tpu.memory_space<hbm>>
        tpu.wait_dma2 semaphore(%arg18 : memref<!tpu.dma_semaphore, #tpu.memory_space<semaphore_mem>>) src(%dma_wait3A_69 : memref<40xi32, #tpu.memory_space<hbm>>) dst(%arg12 : memref<40xi32, #tpu.memory_space<vmem>>)
        %dma_wait3A_70 = tpu.memref_slice %arg4[%add3A_67] : memref<320000xi32, #tpu.memory_space<hbm>> -> memref<40xi32, #tpu.memory_space<hbm>>
        %dma_wait3A_71 = tpu.memref_slice %arg4[%add3A_67] : memref<320000xi32, #tpu.memory_space<hbm>> -> memref<40xi32, #tpu.memory_space<hbm>>
        tpu.wait_dma2 semaphore(%arg18 : memref<!tpu.dma_semaphore, #tpu.memory_space<semaphore_mem>>) src(%dma_wait3A_71 : memref<40xi32, #tpu.memory_space<hbm>>) dst(%arg13 : memref<40xi32, #tpu.memory_space<vmem>>)
        %add3A_72 = arith.constant 2 : i32
        %add3A_73 = arith.addi %mul3A_53, %add3A_72 : i32
        %lt3A = arith.constant 250 : i32
        %lt3A_74 = arith.cmpi slt, %add3A_73, %lt3A : i32
        %convert_element_type3A_75 = arith.extui %lt3A_74 : i1 to i32
        %cond3A_76 = arith.constant 0 : i32
        %cond3A_77 = arith.cmpi ne, %convert_element_type3A_75, %cond3A_76 : i32
        scf.if %cond3A_77 {
          %add3A_87 = arith.constant 2 : i32
          %add3A_88 = arith.addi %mul3A_53, %add3A_87 : i32
          %mul3A_89 = arith.constant 40 : i32
          %mul3A_90 = arith.muli %add3A_88, %mul3A_89 : i32
          %add3A_91 = arith.addi %mul3A_16, %mul3A_90 : i32
          %dma_start3A_92 = tpu.memref_slice %arg3[%add3A_91] : memref<320000xi32, #tpu.memory_space<hbm>> -> memref<40xi32, #tpu.memory_space<hbm>>
          %dma_start3A_93 = tpu.memref_slice %arg3[%add3A_91] : memref<320000xi32, #tpu.memory_space<hbm>> -> memref<40xi32, #tpu.memory_space<hbm>>
          tpu.enqueue_dma source(%dma_start3A_93 : memref<40xi32, #tpu.memory_space<hbm>>) target(%arg10 : memref<40xi32, #tpu.memory_space<vmem>>) target_semaphore(%arg17 : memref<!tpu.dma_semaphore, #tpu.memory_space<semaphore_mem>>)
          %dma_start3A_94 = tpu.memref_slice %arg4[%add3A_91] : memref<320000xi32, #tpu.memory_space<hbm>> -> memref<40xi32, #tpu.memory_space<hbm>>
          %dma_start3A_95 = tpu.memref_slice %arg4[%add3A_91] : memref<320000xi32, #tpu.memory_space<hbm>> -> memref<40xi32, #tpu.memory_space<hbm>>
          tpu.enqueue_dma source(%dma_start3A_95 : memref<40xi32, #tpu.memory_space<hbm>>) target(%arg11 : memref<40xi32, #tpu.memory_space<vmem>>) target_semaphore(%arg17 : memref<!tpu.dma_semaphore, #tpu.memory_space<semaphore_mem>>)
        } else {
        }
        %add3A_78 = arith.constant 1 : i32
        %add3A_79 = arith.addi %mul3A_53, %add3A_78 : i32
        "tpu.region"() ({
          %run_scoped3A = tpu.sem_alloc : memref<!tpu.dma_semaphore, #tpu.memory_space<semaphore_mem>>
          %dma_start3A_87 = arith.constant 0 : i32
          %dma_start3A_88 = arith.constant 0 : i32
          %dma_start3A_89 = tpu.memref_slice %arg2[%dma_start3A_87, %dma_start3A_88] : memref<10000x128xf32, #tpu.memory_space<hbm>> -> memref<10000x128xf32, #tpu.memory_space<hbm>>
          tpu.enqueue_indirect_dma source(%dma_start3A_89 : memref<10000x128xf32, #tpu.memory_space<hbm>>) target(%arg16 : memref<40x128xf32, #tpu.memory_space<vmem>>) offsets(%arg13 : memref<40xi32, #tpu.memory_space<vmem>>) semaphore(%run_scoped3A : memref<!tpu.dma_semaphore, #tpu.memory_space<semaphore_mem>>)
          %dma_wait3A_90 = arith.constant 0 : i32
          %dma_wait3A_91 = arith.constant 0 : i32
          %dma_wait3A_92 = tpu.memref_slice %arg2[%dma_wait3A_90, %dma_wait3A_91] : memref<10000x128xf32, #tpu.memory_space<hbm>> -> memref<10000x128xf32, #tpu.memory_space<hbm>>
          tpu.wait_indirect_dma semaphore(%run_scoped3A : memref<!tpu.dma_semaphore, #tpu.memory_space<semaphore_mem>>) src(%dma_wait3A_92 : memref<10000x128xf32, #tpu.memory_space<hbm>>) dst(%arg16 : memref<40x128xf32, #tpu.memory_space<vmem>>)
          tpu.yield
        }) : () -> ()
        "tpu.region"() ({
          %run_scoped3A = tpu.sem_alloc : memref<!tpu.dma_semaphore, #tpu.memory_space<semaphore_mem>>
          %dma_start3A_87 = arith.constant 0 : i32
          %dma_start3A_88 = arith.constant 0 : i32
          %dma_start3A_89 = tpu.memref_slice %arg21[%dma_start3A_87, %dma_start3A_88] : memref<10000x128xf32, #tpu.memory_space<vmem_shared>> -> memref<10000x128xf32, #tpu.memory_space<vmem_shared>>
          tpu.enqueue_indirect_dma source(%arg16 : memref<40x128xf32, #tpu.memory_space<vmem>>) target(%dma_start3A_89 : memref<10000x128xf32, #tpu.memory_space<vmem_shared>>) offsets(%arg12 : memref<40xi32, #tpu.memory_space<vmem>>) semaphore(%run_scoped3A : memref<!tpu.dma_semaphore, #tpu.memory_space<semaphore_mem>>) {add = true}
          %dma_wait3A_90 = arith.constant 0 : i32
          %dma_wait3A_91 = arith.constant 0 : i32
          %dma_wait3A_92 = tpu.memref_slice %arg21[%dma_wait3A_90, %dma_wait3A_91] : memref<10000x128xf32, #tpu.memory_space<vmem_shared>> -> memref<10000x128xf32, #tpu.memory_space<vmem_shared>>
          tpu.wait_indirect_dma semaphore(%run_scoped3A : memref<!tpu.dma_semaphore, #tpu.memory_space<semaphore_mem>>) src(%arg16 : memref<40x128xf32, #tpu.memory_space<vmem>>) dst(%dma_wait3A_92 : memref<10000x128xf32, #tpu.memory_space<vmem_shared>>)
          tpu.yield
        }) : () -> ()
        %add3A_80 = arith.constant 2 : i32
        %add3A_81 = arith.addi %mul3A_53, %add3A_80 : i32
        %lt3A_82 = arith.constant 250 : i32
        %lt3A_83 = arith.cmpi slt, %add3A_81, %lt3A_82 : i32
        %convert_element_type3A_84 = arith.extui %lt3A_83 : i1 to i32
        %cond3A_85 = arith.constant 0 : i32
        %cond3A_86 = arith.cmpi ne, %convert_element_type3A_84, %cond3A_85 : i32
        scf.if %cond3A_86 {
          %add3A_87 = arith.constant 2 : i32
          %add3A_88 = arith.addi %mul3A_53, %add3A_87 : i32
          %mul3A_89 = arith.constant 40 : i32
          %mul3A_90 = arith.muli %add3A_88, %mul3A_89 : i32
          %add3A_91 = arith.addi %mul3A_16, %mul3A_90 : i32
          %dma_wait3A_92 = tpu.memref_slice %arg3[%add3A_91] : memref<320000xi32, #tpu.memory_space<hbm>> -> memref<40xi32, #tpu.memory_space<hbm>>
          %dma_wait3A_93 = tpu.memref_slice %arg3[%add3A_91] : memref<320000xi32, #tpu.memory_space<hbm>> -> memref<40xi32, #tpu.memory_space<hbm>>
          tpu.wait_dma2 semaphore(%arg17 : memref<!tpu.dma_semaphore, #tpu.memory_space<semaphore_mem>>) src(%dma_wait3A_93 : memref<40xi32, #tpu.memory_space<hbm>>) dst(%arg10 : memref<40xi32, #tpu.memory_space<vmem>>)
          %dma_wait3A_94 = tpu.memref_slice %arg4[%add3A_91] : memref<320000xi32, #tpu.memory_space<hbm>> -> memref<40xi32, #tpu.memory_space<hbm>>
          %dma_wait3A_95 = tpu.memref_slice %arg4[%add3A_91] : memref<320000xi32, #tpu.memory_space<hbm>> -> memref<40xi32, #tpu.memory_space<hbm>>
          tpu.wait_dma2 semaphore(%arg17 : memref<!tpu.dma_semaphore, #tpu.memory_space<semaphore_mem>>) src(%dma_wait3A_95 : memref<40xi32, #tpu.memory_space<hbm>>) dst(%arg11 : memref<40xi32, #tpu.memory_space<vmem>>)
        } else {
        }
      }
      %scan3A_46 = arith.constant 125 : i32
    } else {
    }
    %barrier3A_24 = arith.constant 0 : index
    tpu.barrier barrier_id(%barrier3A_24)
    %mul3A_25 = arith.constant 10000 : i32
    %mul3A_26 = arith.muli %arg0, %mul3A_25 : i32
    %add3A_27 = arith.addi %mul3A_26, %mul3A_2 : i32
    "tpu.region"() ({
      %run_scoped3A = tpu.sem_alloc : memref<!tpu.dma_semaphore, #tpu.memory_space<semaphore_mem>>
      %dma_start3A = arith.constant 0 : i32
      %dma_start3A_33 = tpu.memref_slice %arg9[%add3A_27, %dma_start3A] : memref<20000x128xf32, #tpu.memory_space<hbm>> -> memref<624x128xf32, #tpu.memory_space<hbm>>
      %dma_start3A_34 = arith.constant 0 : i32
      %dma_start3A_35 = tpu.memref_slice %arg21[%mul3A_2, %dma_start3A_34] : memref<10000x128xf32, #tpu.memory_space<vmem_shared>> -> memref<624x128xf32, #tpu.memory_space<vmem_shared>>
      tpu.enqueue_dma source(%dma_start3A_35 : memref<624x128xf32, #tpu.memory_space<vmem_shared>>) target(%dma_start3A_33 : memref<624x128xf32, #tpu.memory_space<hbm>>) target_semaphore(%run_scoped3A : memref<!tpu.dma_semaphore, #tpu.memory_space<semaphore_mem>>)
      %dma_wait3A = arith.constant 0 : i32
      %dma_wait3A_36 = tpu.memref_slice %arg9[%add3A_27, %dma_wait3A] : memref<20000x128xf32, #tpu.memory_space<hbm>> -> memref<624x128xf32, #tpu.memory_space<hbm>>
      %dma_wait3A_37 = arith.constant 0 : i32
      %dma_wait3A_38 = tpu.memref_slice %arg21[%mul3A_2, %dma_wait3A_37] : memref<10000x128xf32, #tpu.memory_space<vmem_shared>> -> memref<624x128xf32, #tpu.memory_space<vmem_shared>>
      tpu.wait_dma2 semaphore(%run_scoped3A : memref<!tpu.dma_semaphore, #tpu.memory_space<semaphore_mem>>) src(%dma_wait3A_38 : memref<624x128xf32, #tpu.memory_space<vmem_shared>>) dst(%dma_wait3A_36 : memref<624x128xf32, #tpu.memory_space<hbm>>)
      tpu.yield
    }) : () -> ()
    %eq3A_28 = arith.constant 0 : i32
    %eq3A_29 = arith.cmpi eq, %arg1, %eq3A_28 : i32
    %convert_element_type3A_30 = arith.extui %eq3A_29 : i1 to i32
    %cond3A_31 = arith.constant 0 : i32
    %cond3A_32 = arith.cmpi ne, %convert_element_type3A_30, %cond3A_31 : i32
    scf.if %cond3A_32 {
      %mul3A_33 = arith.constant 10000 : i32
      %mul3A_34 = arith.muli %arg0, %mul3A_33 : i32
      %add3A_35 = arith.constant 9984 : i32
      %add3A_36 = arith.addi %mul3A_34, %add3A_35 : i32
      "tpu.region"() ({
        %run_scoped3A = tpu.sem_alloc : memref<!tpu.dma_semaphore, #tpu.memory_space<semaphore_mem>>
        %dma_start3A = arith.constant 0 : i32
        %dma_start3A_37 = tpu.memref_slice %arg9[%add3A_36, %dma_start3A] : memref<20000x128xf32, #tpu.memory_space<hbm>> -> memref<16x128xf32, #tpu.memory_space<hbm>>
        %dma_start3A_38 = arith.constant 9984 : i32
        %dma_start3A_39 = arith.constant 0 : i32
        %dma_start3A_40 = tpu.memref_slice %arg21[%dma_start3A_38, %dma_start3A_39] : memref<10000x128xf32, #tpu.memory_space<vmem_shared>> -> memref<16x128xf32, #tpu.memory_space<vmem_shared>>
        tpu.enqueue_dma source(%dma_start3A_40 : memref<16x128xf32, #tpu.memory_space<vmem_shared>>) target(%dma_start3A_37 : memref<16x128xf32, #tpu.memory_space<hbm>>) target_semaphore(%run_scoped3A : memref<!tpu.dma_semaphore, #tpu.memory_space<semaphore_mem>>)
        %dma_wait3A = arith.constant 0 : i32
        %dma_wait3A_41 = tpu.memref_slice %arg9[%add3A_36, %dma_wait3A] : memref<20000x128xf32, #tpu.memory_space<hbm>> -> memref<16x128xf32, #tpu.memory_space<hbm>>
        %dma_wait3A_42 = arith.constant 9984 : i32
        %dma_wait3A_43 = arith.constant 0 : i32
        %dma_wait3A_44 = tpu.memref_slice %arg21[%dma_wait3A_42, %dma_wait3A_43] : memref<10000x128xf32, #tpu.memory_space<vmem_shared>> -> memref<16x128xf32, #tpu.memory_space<vmem_shared>>
        tpu.wait_dma2 semaphore(%run_scoped3A : memref<!tpu.dma_semaphore, #tpu.memory_space<semaphore_mem>>) src(%dma_wait3A_44 : memref<16x128xf32, #tpu.memory_space<vmem_shared>>) dst(%dma_wait3A_41 : memref<16x128xf32, #tpu.memory_space<hbm>>)
        tpu.yield
      }) : () -> ()
    } else {
    }
    return
  }
}

module attributes {stable_mosaic.version = 14 : i64} {
  func.func @_tc_step_body(%arg0: i32, %arg1: memref<1000x128xf32, #tpu.memory_space<vmem>>, %arg2: memref<1000x128xf32, #tpu.memory_space<vmem>>, %arg3: memref<1000x128xf32, #tpu.memory_space<vmem>>, %arg4: memref<128x128xf32, #tpu.memory_space<vmem>>, %arg5: memref<1x128xf32, #tpu.memory_space<vmem>>, %arg6: memref<1x128xf32, #tpu.memory_space<vmem>>, %arg7: memref<1000x16xf32, #tpu.memory_space<vmem>>, %arg8: memref<1000x128xf32, #tpu.memory_space<vmem>>, %arg9: memref<1000x16xf32, #tpu.memory_space<vmem>>, %arg10: memref<1000x128xf32, #tpu.memory_space<vmem>>, %arg11: memref<1000x128xf32, #tpu.memory_space<vmem>>) attributes {dimension_semantics = [#tpu.dimension_semantics<arbitrary>], iteration_bounds = array<i64: 10>, scalar_prefetch = 0 : i64, scratch_operands = 0 : i64, tpu.core_type = #tpu.core_type<tc>, window_params = [{transform_indices = @transform_0, window_bounds = array<i64: 1000, 128>}, {transform_indices = @transform_1, window_bounds = array<i64: 1000, 128>}, {transform_indices = @transform_2, window_bounds = array<i64: 1000, 128>}, {pipeline_mode = #tpu.pipeline_mode<synchronous>, transform_indices = @transform_3, window_bounds = array<i64: 128, 128>}, {pipeline_mode = #tpu.pipeline_mode<synchronous>, transform_indices = @transform_4, window_bounds = array<i64: 1, 128>}, {pipeline_mode = #tpu.pipeline_mode<synchronous>, transform_indices = @transform_5, window_bounds = array<i64: 1, 128>}, {transform_indices = @transform_6, window_bounds = array<i64: 1000, 16>}, {transform_indices = @transform_7, window_bounds = array<i64: 1000, 128>}, {transform_indices = @transform_8, window_bounds = array<i64: 1000, 16>}, {transform_indices = @transform_9, window_bounds = array<i64: 1000, 128>}, {transform_indices = @transform_10, window_bounds = array<i64: 1000, 128>}]} {
    %get3A = arith.constant 0 : index
    %get3A_0 = arith.constant 0 : index
    %get3A_1 = vector.load %arg6[%get3A, %get3A_0] : memref<1x128xf32, #tpu.memory_space<vmem>>, vector<1x1xf32>
    %get3A_2 = vector.extract %get3A_1[0, 0] : f32 from vector<1x1xf32>
    %eq3A = arith.constant 0.000000e+00 : f32
    %eq3A_3 = arith.cmpf oeq, %get3A_2, %eq3A : f32
    %get3A_4 = arith.constant 0 : index
    %get3A_5 = arith.constant 0 : index
    %get3A_6 = vector.load %arg1[%get3A_4, %get3A_5] : memref<1000x128xf32, #tpu.memory_space<vmem>>, vector<1000x128xf32>
    %get3A_7 = arith.constant 0 : index
    %get3A_8 = arith.constant 0 : index
    %get3A_9 = vector.load %arg2[%get3A_7, %get3A_8] : memref<1000x128xf32, #tpu.memory_space<vmem>>, vector<1000x128xf32>
    %add3A = arith.addf %get3A_6, %get3A_9 : vector<1000x128xf32>
    %slice3A = vector.extract_strided_slice %add3A {offsets = [0, 0], sizes = [1000, 1], strides = [1, 1]} : vector<1000x128xf32> to vector<1000x1xf32>
    %gt3A = arith.constant 0.000000e+00 : f32
    %gt3A_10 = vector.broadcast %gt3A : f32 to vector<1000x1xf32>
    %gt3A_11 = arith.cmpf ogt, %slice3A, %gt3A_10 : vector<1000x1xf32>
    %max3A = arith.constant 1.000000e+00 : f32
    %max3A_12 = vector.broadcast %max3A : f32 to vector<1000x1xf32>
    %max3A_13 = arith.maximumf %slice3A, %max3A_12 : vector<1000x1xf32>
    %rsqrt3A = math.rsqrt %max3A_13 : vector<1000x1xf32>
    %jit3A = arith.constant 0.000000e+00 : f32
    %broadcast_in_dim3A = vector.broadcast %jit3A : f32 to vector<1000x1xf32>
    %select_n3A = arith.select %gt3A_11, %rsqrt3A, %broadcast_in_dim3A : vector<1000x1xi1>, vector<1000x1xf32>
    %get3A_14 = arith.constant 0 : index
    %get3A_15 = arith.constant 0 : index
    %get3A_16 = vector.load %arg7[%get3A_14, %get3A_15] : memref<1000x16xf32, #tpu.memory_space<vmem>>, vector<1000x1xf32>
    %select_n3A_17 = arith.select %eq3A_3, %select_n3A, %get3A_16 : vector<1000x1xf32>
    %broadcast_in_dim3A_18 = vector.shape_cast %select_n3A_17 : vector<1000x1xf32> to vector<1000x1xf32>
    %broadcast_in_dim3A_19 = vector.broadcast %broadcast_in_dim3A_18 : vector<1000x1xf32> to vector<1000x16xf32>
    %swap3A = arith.constant 0 : index
    %swap3A_20 = arith.constant 0 : index
    %swap3A_21 = vector.load %arg9[%swap3A, %swap3A_20] : memref<1000x16xf32, #tpu.memory_space<vmem>>, vector<1000x16xf32>
    tpu.vector_store %arg9[%swap3A, %swap3A_20], %broadcast_in_dim3A_19 {strides = array<i32>} : memref<1000x16xf32, #tpu.memory_space<vmem>>, vector<1000x16xf32>,
    %eq3A_22 = arith.constant 1.000000e+00 : f32
    %eq3A_23 = arith.cmpf oeq, %get3A_2, %eq3A_22 : f32
    %jit3A_24 = arith.constant 1.000000e+00 : f32
    %jit3A_25 = arith.constant 2.000000e+00 : f32
    %select_n3A_26 = arith.select %eq3A_23, %jit3A_24, %jit3A_25 : f32
    %eq3A_27 = arith.constant 2.000000e+00 : f32
    %eq3A_28 = arith.cmpf oeq, %get3A_2, %eq3A_27 : f32
    %jit3A_29 = arith.constant 1.000000e+00 : f32
    %jit3A_30 = arith.constant 0.000000e+00 : f32
    %select_n3A_31 = arith.select %eq3A_28, %jit3A_29, %jit3A_30 : f32
    %mul3A = vector.broadcast %select_n3A_17 : vector<1000x1xf32> to vector<1000x128xf32>
    %mul3A_32 = arith.mulf %mul3A, %add3A : vector<1000x128xf32>
    %mul3A_33 = vector.broadcast %select_n3A_26 : f32 to vector<1000x128xf32>
    %mul3A_34 = arith.mulf %mul3A_33, %mul3A_32 : vector<1000x128xf32>
    %neg3A = arith.constant 0.000000e+00 : f32
    %neg3A_35 = vector.broadcast %neg3A : f32 to vector<1000x128xf32>
    %neg3A_36 = arith.subf %neg3A_35, %mul3A_34 : vector<1000x128xf32>
    %get3A_37 = arith.constant 0 : index
    %get3A_38 = arith.constant 0 : index
    %get3A_39 = vector.load %arg3[%get3A_37, %get3A_38] : memref<1000x128xf32, #tpu.memory_space<vmem>>, vector<1000x128xf32>
    %mul3A_40 = vector.broadcast %select_n3A_31 : f32 to vector<1000x128xf32>
    %mul3A_41 = arith.mulf %mul3A_40, %get3A_39 : vector<1000x128xf32>
    %sub3A = arith.subf %neg3A_36, %mul3A_41 : vector<1000x128xf32>
    %get3A_42 = arith.constant 0 : index
    %get3A_43 = arith.constant 0 : index
    %get3A_44 = vector.load %arg3[%get3A_42, %get3A_43] : memref<1000x128xf32, #tpu.memory_space<vmem>>, vector<1000x128xf32>
    %mul3A_45 = vector.broadcast %select_n3A_17 : vector<1000x1xf32> to vector<1000x128xf32>
    %mul3A_46 = arith.mulf %mul3A_45, %get3A_44 : vector<1000x128xf32>
    %mul3A_47 = vector.broadcast %select_n3A_17 : vector<1000x1xf32> to vector<1000x128xf32>
    %mul3A_48 = arith.mulf %mul3A_47, %sub3A : vector<1000x128xf32>
    %select_n3A_49 = arith.select %eq3A_3, %mul3A_46, %mul3A_48 : vector<1000x128xf32>
    %swap3A_50 = arith.constant 0 : index
    %swap3A_51 = arith.constant 0 : index
    %swap3A_52 = vector.load %arg10[%swap3A_50, %swap3A_51] : memref<1000x128xf32, #tpu.memory_space<vmem>>, vector<1000x128xf32>
    tpu.vector_store %arg10[%swap3A_50, %swap3A_51], %select_n3A_49 {strides = array<i32>} : memref<1000x128xf32, #tpu.memory_space<vmem>>, vector<1000x128xf32>,
    %get3A_53 = arith.constant 0 : index
    %get3A_54 = arith.constant 0 : index
    %get3A_55 = vector.load %arg3[%get3A_53, %get3A_54] : memref<1000x128xf32, #tpu.memory_space<vmem>>, vector<1000x128xf32>
    %select_n3A_56 = arith.select %eq3A_3, %get3A_55, %sub3A : vector<1000x128xf32>
    %get3A_57 = arith.constant 0 : index
    %get3A_58 = arith.constant 0 : index
    %get3A_59 = vector.load %arg5[%get3A_57, %get3A_58] : memref<1x128xf32, #tpu.memory_space<vmem>>, vector<1x128xf32>
    %broadcast_in_dim3A_60 = vector.shape_cast %get3A_59 : vector<1x128xf32> to vector<1x128xf32>
    %broadcast_in_dim3A_61 = vector.broadcast %broadcast_in_dim3A_60 : vector<1x128xf32> to vector<1000x128xf32>
    %get3A_62 = arith.constant 0 : index
    %get3A_63 = arith.constant 0 : index
    %get3A_64 = vector.load %arg8[%get3A_62, %get3A_63] : memref<1000x128xf32, #tpu.memory_space<vmem>>, vector<1000x128xf32>
    %select_n3A_65 = arith.select %eq3A_3, %broadcast_in_dim3A_61, %get3A_64 : vector<1000x128xf32>
    %get3A_66 = arith.constant 0 : index
    %get3A_67 = arith.constant 0 : index
    %get3A_68 = vector.load %arg4[%get3A_66, %get3A_67] : memref<128x128xf32, #tpu.memory_space<vmem>>, vector<128x128xf32>
    %dot_general3A = arith.constant dense<0.000000e+00> : vector<1000x128xf32>
    %dot_general3A_69 = tpu.matmul %select_n3A_56, %get3A_68, %dot_general3A {dimension_numbers = #tpu.dot_dimension_numbers<[1], [0], [0], [1], [0, 0, 1, 1], [], []>, precision = #tpu.contract_precision<fp32>, transpose_lhs_hint = false} : vector<1000x128xf32>, vector<128x128xf32>, vector<1000x128xf32> -> vector<1000x128xf32>
    %add3A_70 = arith.addf %select_n3A_65, %dot_general3A_69 : vector<1000x128xf32>
    %swap3A_71 = arith.constant 0 : index
    %swap3A_72 = arith.constant 0 : index
    %swap3A_73 = vector.load %arg11[%swap3A_71, %swap3A_72] : memref<1000x128xf32, #tpu.memory_space<vmem>>, vector<1000x128xf32>
    tpu.vector_store %arg11[%swap3A_71, %swap3A_72], %add3A_70 {strides = array<i32>} : memref<1000x128xf32, #tpu.memory_space<vmem>>, vector<1000x128xf32>,
    return
  }
  func.func @transform_0(%arg0: i32) -> (i32, i32) {
    %c0_i32 = arith.constant 0 : i32
    %c0_i32_0 = arith.constant 0 : i32
    return %arg0, %c0_i32 : i32, i32
  }
  func.func @transform_1(%arg0: i32) -> (i32, i32) {
    %c0_i32 = arith.constant 0 : i32
    %c0_i32_0 = arith.constant 0 : i32
    return %arg0, %c0_i32 : i32, i32
  }
  func.func @transform_2(%arg0: i32) -> (i32, i32) {
    %c0_i32 = arith.constant 0 : i32
    %c0_i32_0 = arith.constant 0 : i32
    return %arg0, %c0_i32 : i32, i32
  }
  func.func @transform_3(%arg0: i32) -> (i32, i32) {
    %c0_i32 = arith.constant 0 : i32
    %c0_i32_0 = arith.constant 0 : i32
    %c0_i32_1 = arith.constant 0 : i32
    return %c0_i32, %c0_i32_0 : i32, i32
  }
  func.func @transform_4(%arg0: i32) -> (i32, i32) {
    %c0_i32 = arith.constant 0 : i32
    %c0_i32_0 = arith.constant 0 : i32
    %c0_i32_1 = arith.constant 0 : i32
    return %c0_i32, %c0_i32_0 : i32, i32
  }
  func.func @transform_5(%arg0: i32) -> (i32, i32) {
    %c0_i32 = arith.constant 0 : i32
    %c0_i32_0 = arith.constant 0 : i32
    %c0_i32_1 = arith.constant 0 : i32
    return %c0_i32, %c0_i32_0 : i32, i32
  }
  func.func @transform_6(%arg0: i32) -> (i32, i32) {
    %c0_i32 = arith.constant 0 : i32
    %c0_i32_0 = arith.constant 0 : i32
    return %arg0, %c0_i32 : i32, i32
  }
  func.func @transform_7(%arg0: i32) -> (i32, i32) {
    %c0_i32 = arith.constant 0 : i32
    %c0_i32_0 = arith.constant 0 : i32
    return %arg0, %c0_i32 : i32, i32
  }
  func.func @transform_8(%arg0: i32) -> (i32, i32) {
    %c0_i32 = arith.constant 0 : i32
    %c0_i32_0 = arith.constant 0 : i32
    return %arg0, %c0_i32 : i32, i32
  }
  func.func @transform_9(%arg0: i32) -> (i32, i32) {
    %c0_i32 = arith.constant 0 : i32
    %c0_i32_0 = arith.constant 0 : i32
    return %arg0, %c0_i32 : i32, i32
  }
  func.func @transform_10(%arg0: i32) -> (i32, i32) {
    %c0_i32 = arith.constant 0 : i32
    %c0_i32_0 = arith.constant 0 : i32
    return %arg0, %c0_i32 : i32, i32
  }
}

</mosaic_0001>

<sc_bundles>
// kernel: body.10.cloned.1.call-start
scs
__scs_entry_jumppad:
0x0: {  	(pc) =	sbr.rel $0x88, $3  }
0x1: {  	(tag) =	ssettag $0x0;
	lr =	simm.s32 $0x1  }
0x2: {  	[smem:$0x3F9D] =	sst lr;
	_ =	strace $0xD0000000  }
0x3: {  	_ = 	snop  }
0x4: {  	_ = 	snop  }
0x5: {  	_ = 	snop  }
0x6: {  	_ = 	snop  }
0x7: {  	_ = 	snop  }
__scs_overlays_trampoline_lowered:
0x8: {  	[smem:$0x3FAC] =	sst s0  }
0x9: {  	[smem:$0x3FAD] =	sst s1  }
0xa: {  	[smem:$0x3FAE] =	sst s2  }
0xb: {  	[smem:$0x3FAF] =	sst s3  }
0xc: {  	[smem:$0x3FB0] =	sst s4  }
0xd: {  	[smem:$0x3FB1] =	sst s5  }
0xe: {  	[smem:$0x3FB2] =	sst s6  }
0xf: {  	[smem:$0x3FB3] =	sst s7  }
0x10: {  	[smem:$0x3FB4] =	sst s8  }
0x11: {  	[smem:$0x3FB5] =	sst s9;
	s0 =	simm.s32 @!p0 $0x0  }
0x12: {  	s1 =	sld [smem:$0x3F9B];
	s0 =	simm.s32 @p0 $0x1  }
0x13: {  	[smem:$0x3FB6] =	sst s0;
	s0 =	simm.s32 @!p1 $0x0  }
0x14: {  	s2 =	sld [smem:$0x3F9A];
	s0 =	simm.s32 @p1 $0x1  }
0x15: {  	[smem:$0x3FB7] =	sst s0;
	s0 =	simm.s32 @!p2 $0x0  }
0x16: {  	s3 =	sld [smem:$0x3FDB];
	s0 =	simm.s32 @p2 $0x1  }
0x17: {  	s4 =	simm.s32 $0x1BF5;
	[smem:$0x3FB9] =	sst s0  }
0x18: {  	s0 =	sld [smem:$0x3F9C];
	_ =	swait.ge [sflag:s4], $0x0  }
0x19: {  	s7 =	sld [smem:$0x3F9D]  }
0x1a: {  	s8 =	sadd.s32 $0xFFFFE003, lr  }
0x1b: {  	s9 =	sadd.s32 $0xFFFFFEF7, lr;
	s5 =	simm.s32 $0xFFFFFFFF;
	p2 =	slt.u32 s8, $0xFFFFF086  }
0x1c: {  	p1 =	slt.u32 s9, $0xF7A;
	s5 =	simm.s32 @!p2 $0x0  }
0x1d: {  	s5 =	simm.s32 @p1 $0x1;
	p0 =	seq.s32 s7, s2  }
0x1e: {  	s7 =	smul.u32 @!p0 $0xF7A, s2;
	p2 =	seq.s32 @!p0 s5, $0x0  }
0x1f: {  	s9 =	smul.u32 $0xF7A, s1;
	s8 =	simm.s32 @!p0 $0x1BF5;
	p2 =	por !p2, p0  }
0x20: {  	[sflag:s8] =	ssyncset.s32 @!p0 $0xFFFFF086;
	s6 =	sadd.s32 @!p0 s3, s7;
	s7 =	simm.s32 @!p0 $0x108  }
0x21: {  	s3 =	sadd.s32 s3, s9;
	s6 =	sadd.s32 @!p0 $0x88, s6;
	s7 =	simm.s32 @p2 $0x1082  }
0x22: {  	[simem:s7], [sflag:s8] =	dma.local @!p0 [hbm:s6], $0xF7A  }
0x23: {  	s9 =	sor.u32 $0xD0000000, s2;
	s6 =	simm.s32 $0x108;
	_ =	swait.ge @!p0 [sflag:s8], $0x0  }
0x24: {  	s3 =	sadd.s32 $0x88, s3;
	s6 =	simm.s32 @!p1 $0x1082;
	[sflag:s4] =	ssyncset.s32 $0xFFFFF086  }
0x25: {  	[simem:s6], [sflag:s4] =	dma.local [hbm:s3], $0xF7A  }
0x26: {  	[smem:$0x3F9D] =	sst s1;
	(tag) =	ssettag s2;
	_ =	strace s9  }
0x27: {  	s1 =	sld [smem:$0x3FAD]  }
0x28: {  	s2 =	sld [smem:$0x3FAE]  }
0x29: {  	s4 =	sld [smem:$0x3FB0]  }
0x2a: {  	p0 =	seq.s32 s5, $0x0;
	s5 =	sld [smem:$0x3FB1]  }
0x2b: {  	s6 =	sld [smem:$0x3FB2]  }
0x2c: {  	s7 =	sld [smem:$0x3FB3]  }
0x2d: {  	s3 =	simm.s32 $0x108;
	s8 =	sld [smem:$0x3FB4]  }
0x2e: {  	s3 =	simm.s32 @!p0 $0x1082;
	s9 =	sld [smem:$0x3FB5]  }
0x2f: {  	lr =	sadd.s32 s0, s3;
	s0 =	sld [smem:$0x3FAC]  }
0x30: {  	s3 =	sld [smem:$0x3FAF]  }
0x31: {  	[smem:$0x3FB8] =	sst s10  }
0x32: {  	s10 =	sld [smem:$0x3FB6];
	_ =	sdelay $0x3  }
0x33: {  	p0 =	seq.s32 s10, $0x1;
	s10 =	sld [smem:$0x3FB8];
	_ =	sdelay $0x3  }
0x34: {  	[smem:$0x3FB8] =	sst s10  }
0x35: {  	s10 =	sld [smem:$0x3FB7];
	_ =	sdelay $0x3  }
0x36: {  	p1 =	seq.s32 s10, $0x1;
	s10 =	sld [smem:$0x3FB8];
	_ =	sdelay $0x3  }
0x37: {  	[smem:$0x3FB8] =	sst s10  }
0x38: {  	s10 =	sld [smem:$0x3FB9]  }
0x39: {  	_ = 	snop;
	(pc) =	sbr.ind lr, $3  }
0x3a: {  	_ = 	snop  }
0x3b: {  	_ = 	snop  }
0x3c: {  	p2 =	seq.s32 s10, $0x1;
	s10 =	sld [smem:$0x3FB8]  }
0x3d: {  	_ =	shalt  }
0x3e: {  	_ =	shalt  }
0x3f: {  	_ =	shalt  }
0x40: {  	_ =	shalt  }
0x41: {  	_ =	shalt  }
0x42: {  	_ =	shalt  }
0x43: {  	_ =	shalt  }
0x44: {  	_ =	shalt  }
0x45: {  	_ =	shalt  }
0x46: {  	_ =	shalt  }
0x47: {  	_ =	shalt  }
0x48: {  	_ =	shalt  }
0x49: {  	_ =	shalt  }
0x4a: {  	_ =	shalt  }
0x4b: {  	_ =	shalt  }
0x4c: {  	_ =	shalt  }
0x4d: {  	_ =	shalt  }
0x4e: {  	_ =	shalt  }
0x4f: {  	_ =	shalt  }
0x50: {  	_ =	shalt  }
0x51: {  	_ =	shalt  }
0x52: {  	_ =	shalt  }
0x53: {  	_ =	shalt  }
0x54: {  	_ =	shalt  }
0x55: {  	_ =	shalt  }
0x56: {  	_ =	shalt  }
0x57: {  	_ =	shalt  }
0x58: {  	_ =	shalt  }
0x59: {  	_ =	shalt  }
0x5a: {  	_ =	shalt  }
0x5b: {  	_ =	shalt  }
0x5c: {  	_ =	shalt  }
0x5d: {  	_ =	shalt  }
0x5e: {  	_ =	shalt  }
0x5f: {  	_ =	shalt  }
0x60: {  	_ =	shalt  }
0x61: {  	_ =	shalt  }
0x62: {  	_ =	shalt  }
0x63: {  	_ =	shalt  }
0x64: {  	_ =	shalt  }
0x65: {  	_ =	shalt  }
0x66: {  	_ =	shalt  }
0x67: {  	_ =	shalt  }
0x68: {  	_ =	shalt  }
0x69: {  	_ =	shalt  }
0x6a: {  	_ =	shalt  }
0x6b: {  	_ =	shalt  }
0x6c: {  	_ =	shalt  }
0x6d: {  	_ =	shalt  }
0x6e: {  	_ =	shalt  }
0x6f: {  	_ =	shalt  }
0x70: {  	_ =	shalt  }
0x71: {  	_ =	shalt  }
0x72: {  	_ =	shalt  }
0x73: {  	_ =	shalt  }
0x74: {  	_ =	shalt  }
0x75: {  	_ =	shalt  }
0x76: {  	_ =	shalt  }
0x77: {  	_ =	shalt  }
0x78: {  	_ =	shalt  }
0x79: {  	_ =	shalt  }
0x7a: {  	_ =	shalt  }
0x7b: {  	_ =	shalt  }
0x7c: {  	_ =	shalt  }
0x7d: {  	_ =	shalt  }
0x7e: {  	_ =	shalt  }
0x7f: {  	_ =	shalt  }
0x80: {  	_ =	shalt  }
0x81: {  	_ =	shalt  }
0x82: {  	_ =	shalt  }
0x83: {  	_ =	shalt  }
0x84: {  	_ =	shalt  }
0x85: {  	_ =	shalt  }
0x86: {  	_ =	shalt  }
0x87: {  	_ =	shalt  }
.Lfunc_end0:
.L_simem_size_0:
called_computation_lowered:
.L_overlay_start_0:
0x88: {  	s2 =	sld [smem:$0x3FD9]  }
0x89: {  	s3 =	sld [smem:$0x3FFE];
	_ =	sdelay $0x1  }
0x8a: {  	s1 =	srdreg.scid  }
0x8b: {  	s0 =	sand.u32 $0x1, s1  }
0x8c: {  	s16 =	sshll.u32 s0, $0xA;
	s2 =	sadd.s32 s3, s2  }
0x8d: {  	s2 =	sadd.s32 s2, s16  }
0x8e: {  	[smem:$0x3FC4] =	sst s2  }
0x8f: {  	_ = 	snop  }
0x90: {  	(tm) =	ssettm $0x1  }
0x91: {  	s17 =	sld [smem:$0x3FFB];
	_ =	sdelay $0x3  }
0x92: {  	_ =	strace s17  }
0x93: {  	s2 =	sld [smem:$0x3FFC];
	_ =	sdelay $0x3  }
0x94: {  	_ =	strace s2  }
0x95: {  	s2 =	sld [smem:$0x3FFD];
	_ =	sdelay $0x3  }
0x96: {  	_ =	strace s2  }
0x97: {  	_ =	strace $0x8FFFFFFF  }
0x98: {  	s18 =	sld [smem:$0x3FDB];
	_ =	sdelay $0x1  }
0x99: {  	s19 =	simm.s32 $_scs_section_size  }
0x9a: {  	s4 =	simm.s32 $_size__tile_overlayer_lowered;
	s5 =	simm.s32 $_tile_overlayer_lowered  }
0x9b: {  	s22 =	simm.s32 $0x1BFF;
	s21 =	sshll.u32 s5, $0x1;
	s2 =	sadd.s32 s19, s18  }
0x9c: {  	s6 =	simm.s32 $0x0;
	s20 =	sshll.u32 s4, $0x1;
	s4 =	sadd.s32 s21, s2  }
0x9d: {  	[timem:s6], [sflag:s22] =	dma.local [hbm:s4], s20  }
0x9e: {  	_ =	swait.ge [sflag:s22], s20  }
0x9f: {  	s3 =	ssub.s32 $0x0, s20;
	[sflag:s22] =	ssyncset.done $0x0  }
0xa0: {  	[sflag:s22] =	ssyncadd.s32 s3;
	_ =	sdelay $0x1  }
0xa1: {  	s23 =	simm.s32 $0x1B8B  }
0xa2: {  	_ =	swait.ge [sflag:s23], $0x1  }
0xa3: {  	[sflag:s23] =	ssyncset.done $0x0  }
0xa4: {  	s25 =	simm.s32 $0x1B8E;
	s24 =	sld [smem:$0x3FFE];
	[sflag:s23] =	ssyncadd.s32 $0xFFFFFFFF  }
0xa5: {  	s26 =	simm.s32 $execute0_lowered;
	[smem:$0x3FD2] =	sst s25  }
0xa6: {  	s4 =	sshll.u32 s26, $0x1;
	_ =	strace $0x80000046;
	[dreg:$0x1] =	wrdreg $0xFFFFFFFF  }
0xa7: {  	s28 =	simm.s32 $_size_execute0_lowered;
	s2 =	sadd.s32 s2, s4;
	[dreg:$0x0] =	wrdreg $0x0  }
0xa8: {  	s4 =	sshll.u32 s28, $0x1;
	[dreg:$0x2] =	wrdreg s2  }
0xa9: {  	[dreg:$0x3] =	wrdreg s4  }
0xaa: {  	[dreg:$0x4] =	wrdreg $0xC0  }
0xab: {  	_ =	task [dreg:s6], $0x5FFFF  }
0xac: {  	[dreg:$0x1] =	wrdreg $0xFFFFFFFF  }
0xad: {  	[dreg:$0x0] =	wrdreg $0x60  }
0xae: {  	[dreg:$0x2] =	wrdreg s24  }
0xaf: {  	[dreg:$0x3] =	wrdreg $0x17000  }
0xb0: {  	[dreg:$0x4] =	wrdreg $0x9  }
0xb1: {  	_ =	task.clear_ibuf [dreg:s6], $0x5FFFF;
	_ =	strace $0x90000046  }
0xb2: {  	s29 =	simm.s32 $0x9;
	_ =	strace $0x80000048  }
0xb3: {  	_ =	swait.ge [sflag:s29], $0x1  }
0xb4: {  	[sflag:s29] =	ssyncadd.s32 $0xFFFFFFFF  }
0xb5: {  	_ =	strace $0x90000048  }
0xb6: {  	_ =	sfence  }
0xb7: {  	s30 =	sld [smem:$0x0];
	_ =	sdelay $0x2  }
0xb8: {  	s31 =	sshll.u32 s1, $0xD;
	s1 =	sshrl.u32 s1, $0x2  }
0xb9: {  	s3 =	sand.u32 $0x4000, s31;
	s1 =	sadd.s32 s1, s30  }
0xba: {  	s0 =	sor.u32 s3, s0;
	s1 =	sshll.u32 s1, $0x11  }
0xbb: {  	s0 =	sor.u32 s1, s0  }
0xbc: {  	s0 =	sadd.s32 $0x8F2B, s0  }
0xbd: {  	[sflag:s0] =	ssyncadd.remote.s32 $0x1  }
0xbe: {  	_ =	sfence.sel $0xFFFF  }
0xbf: {  	[dreg:$0x0] =	wrdreg $0xFFFFFFFF;
	(pc) =	sbr.abs _section_cstart, $3  }
0xc0: {  	[dreg:$0x1] =	wrdreg $0xFFFFFFFF  }
0xc1: {  	_ =	task.clear_ibuf [dreg:s6], $0x2FFFF;
	_ =	strace $0x9FFFFFFF  }
0xc2: {  	(tm) =	ssettm $0x7FFFFFFF  }
0xc3: {  	_ =	shalt  }
tec
execute0_lowered:
.L_overlay_start_1:
0x0: {  	(tag) =	ssettag $0x1  }
0x1: {  	s0 =	rddreg [dreg:$0x0]  }
0x2: {  	s1 =	rddreg [dreg:$0x1]  }
0x3: {  	s2 =	simm.s32 $0x0;
	s31 =	stileid.u32;
	s15 =	srdreg.scid  }
0x4: {  	s28 =	simm.s32 $0x180;
	s29 =	simm.s32 $0x3;
	[smem:$0x7FF] =	sst s2  }
0x5: {  	s3 =	sadd.s32 $0x1200, s0;
	s5 =	sadd.s32 $0x32200, s0;
	s6 =	sadd.s32 $0x28400, s0  }
0x6: {  	s4 =	smul.u32 $0x2700, s31;
	s7 =	sadd.s32 $0x3C400, s0;
	s14 =	sadd.s32 $0x3C200, s0  }
0x7: {  	s9 =	sshll.u32 s31, $0x1;
	s12 =	smul.u32 $0x4E000, s31;
	s10 =	sadd.s32 $0x3C000, s0  }
0x8: {  	s16 =	sadd.s32 $0x63A00, s0;
	_ =	strace $0x80000047;
	[dreg:$0x3] =	wrdreg s7  }
0x9: {  	s25 =	smul.u32 $0x4E20, s31;
	p0 =	sne.s32 s31, $0x0;
	[dreg:$0x4] =	wrdreg s14  }
0xa: {  	s30 =	sadd.s32 $0x138000, s1;
	s7 =	sand.u32 $0x1, s15;
	[dreg:$0x5] =	wrdreg s10  }
0xb: {  	s8 =	sadd.s32 s4, s0;
	s11 =	ssub.s32 $0x2, s7;
	s23 =	smul.u32 $0x27100, s7  }
0xc: {  	s9 =	sor.u32 s7, s9;
	s12 =	sshrl.u32 s12, $0x2;
	s24 =	smul.u32 $0x138800, s7  }
0xd: {  	s0 =	sadd.s32 $0x63800, s0;
	s7 =	smul.u32 $0x2710, s7;
	s13 =	sshrl.u32 s11, $0x1  }
0xe: {  	s10 =	smul.u32 $0x2710, s9;
	s12 =	sadd.s32 s12, s1;
	[dreg:$0x8] =	wrdreg s0  }
0xf: {  	s8 =	sadd.s32 $0x3C800, s8;
	s11 =	ssub.s32 s11, s13;
	[dreg:$0x6] =	wrdreg s12  }
0x10: {  	[dreg:$0x7] =	wrdreg s8;
	s4 =	sadd.s32 s4, s23;
	s26 =	sshrl.u32 s24, $0x3  }
0x11: {  	s18 =	sshrl.u32 s10, $0x3;
	s21 =	sadd.s32 $0x28, s10;
	s4 =	sadd.s32 s16, s4  }
0x12: {  	s22 =	sadd.s32 $0x78, s10;
	s14 =	smax.u32 s11, $0x1;
	[dreg:$0xc] =	wrdreg s4  }
0x13: {  	s9 =	sadd.s32 s16, s26;
	s19 =	sadd.s32 s5, s18;
	[dreg:$0xe] =	wrdreg s14  }
0x14: {  	s12 =	sadd.s32 $0x26E8, s10;
	s20 =	sadd.s32 s6, s18;
	[dreg:$0x9] =	wrdreg s19  }
0x15: {  	s0 =	sshrl.u32 s21, $0x3;
	s4 =	sadd.s32 $0x27000, s9;
	[dreg:$0xa] =	wrdreg s20  }
0x16: {  	s13 =	sshrl.u32 s12, $0x3;
	s0 =	sadd.s32 s5, s0;
	[dreg:$0xd] =	wrdreg s4  }
0x17: {  	s8 =	sshrl.u32 s22, $0x3;
	s15 =	sadd.s32 s5, s13;
	[dreg:$0xb] =	wrdreg s0  }
0x18: {  	s17 =	sadd.s32 s5, s8;
	s4 =	sadd.s32 s6, s13;
	[dreg:$0xf] =	wrdreg s15  }
0x19: {  	s8 =	simm.s32 $0x0;
	s0 =	sadd.s32 s7, s25;
	[dreg:$0x10] =	wrdreg s4  }
0x1a: {  	s15 =	simm.s32 $0x28;
	s4 =	simm.s32 $0x1;
	s16 =	sadd.s32 $0x28, s0  }
0x1b: {  	s19 =	sadd.s32 $0xC8, s0;
	s20 =	sadd.s32 $0x78, s0;
	s26 =	sadd.s32 $0x50, s0  }
0x1c: {  	s0 =	sadd.s32 $0xA0, s0;
	s18 =	sshrl.u32 s16, $0x3;
	s7 =	sshrl.u32 s19, $0x3  }
.Ltmp0:
0x1d: {  	s22 =	sshrl.u32 s20, $0x3;
	[dreg:$0x12] =	wrdreg s0;
	(pc) =	sbr.rel .LBB2_1-.Ltmp0, $4  }
0x1e: {  	s0 =	simm.s32 $0x5;
	s16 =	simm.s32 $0x300;
	s23 =	sadd.s32 s18, s6  }
0x1f: {  	s24 =	sadd.s32 s18, s5;
	s21 =	sadd.s32 s7, s5;
	s25 =	sadd.s32 s22, s5  }
0x20: {  	s22 =	simm.s32 $0x100;
	s7 =	simm.s32 $0x4;
	[dreg:$0x11] =	wrdreg s21  }
0x21: {  	[dreg:$0x13] =	wrdreg s25;
	s21 =	simm.s32 $0x80;
	s25 =	simm.s32 $0x2  }
.LBB2_15:
0x22: {  	_ =	swait.ge [sflag:s25], $0x28  }
0x23: {  	[sflag:s25] =	ssyncset.done $0x0  }
0x24: {  	[sflag:s25] =	ssyncadd.s32 $0xFFFFFFD8  }
0x25: {  	_ =	swait.ge [sflag:s7], $0x1400  }
0x26: {  	[sflag:s7] =	ssyncset.done $0x0  }
0x27: {  	[sflag:s7] =	ssyncadd.s32 $0xFFFFEC00  }
0x28: {  	[spmem:s1] =	stream.indirect.scatter.add.f32 [tilespmem:s16], [sflag:$0x4], $0x80, s28, s15, $0xb8;
	[tilespmem:$0x14F80] =	vst v63  }
.LBB2_16:
0x29: {  	_ =	swait.ge [sflag:s29], $0x1400  }
0x2a: {  	[sflag:s29] =	ssyncset.done $0x0  }
0x2b: {  	s13 =	simm.s32 $0x4;
	[sflag:s29] =	ssyncadd.s32 $0xFFFFEC00  }
.LBB2_20:
0x2c: {  	_ =	swait.ge [sflag:s13], $0x1400  }
0x2d: {  	[sflag:s13] =	ssyncset.done $0x0  }
0x2e: {  	[sflag:s13] =	ssyncadd.s32 $0xFFFFEC00  }
0x2f: {  	[bflag:$0x0] =	sbarrier.arrive $0xFFFF  }
0x30: {  	s19 =	rddreg [dreg:$0xc]  }
0x31: {  	[hbm:s19], [sflag:s9] =	dma.local [spmem:s11], $0x2700  }
0x32: {  	_ =	swait.ge [sflag:s0], $0x2700  }
0x33: {  	[sflag:s0] =	ssyncset.done $0x0  }
0x34: {  	s11 =	rddreg [dreg:$0xd];
	[sflag:s0] =	ssyncadd.s32 $0xFFFFD900  }
0x35: {  	[hbm:s11], [sflag:s9] =	dma.local @!p0 [spmem:s12], $0x100  }
0x36: {  	s9 =	simm.s32 @!p0 $0x5  }
0x37: {  	_ =	swait.ge @!p0 [sflag:s9], $0x100  }
0x38: {  	s8 =	sadd.s32 $0x1, s8;
	s20 =	rddreg [dreg:$0xe]  }
0x39: {  	p1 =	sne.s32 s8, s20  }
.Ltmp1:
0x3a: {  	_ = 	snop;
	(pc) =	sbr.rel @!p1 .LBB2_21-.Ltmp1, $3  }
0x3b: {  	_ =	sdelay $0x1  }
0x3c: {  	[sflag:s9] =	ssyncset.done @!p0 $0x0  }
0x3d: {  	[sflag:s9] =	ssyncadd.s32 @!p0 $0xFFFFFF00  }
.LBB2_1:
0x3e: {  	s9 =	rddreg [dreg:$0x4];
	s11 =	simm.s32 $0x200  }
0x3f: {  	[tilespmem:s11], [sflag:$0x5] =	stream.linear.gather [hbm4b:s9+s2], $0x80, $0x38;
	[tilespmem:$0x14F80] =	vst v63  }
0x40: {  	_ =	swait.ge [sflag:s0], $0x80  }
0x41: {  	[sflag:s0] =	ssyncset.done $0x0  }
0x42: {  	s12 =	rddreg [dreg:$0x3];
	[sflag:s0] =	ssyncadd.s32 $0xFFFFFF80  }
0x43: {  	[tilespmem:s16], [sflag:$0x5] =	stream.indirect.gather [hbm4b:s12+s15], $0x80, s11, s15, $0xb8;
	[tilespmem:$0x14F80] =	vst v63  }
0x44: {  	s13 =	sshll.u32 s31, $0x6;
	_ =	swait.ge [sflag:s0], $0x1400  }
0x45: {  	s9 =	sor.u32 $0x1C05, s13;
	[sflag:s0] =	ssyncset.done $0x0;
	s14 =	rddreg [dreg:$0x6]  }
0x46: {  	s12 =	rddreg [dreg:$0x7];
	[sflag:s0] =	ssyncadd.s32 $0xFFFFEC00;
	s11 =	sshrl.u32 s14, $0x3  }
0x47: {  	[spmem:s11], [sflag:s9] =	dma.local [hbm:s12], $0x2700  }
0x48: {  	_ =	swait.ge [sflag:s0], $0x2700  }
0x49: {  	[sflag:s0] =	ssyncset.done $0x0  }
0x4a: {  	s12 =	sshrl.u32 @!p0 s30, $0x3;
	s13 =	rddreg [dreg:$0x8];
	[sflag:s0] =	ssyncadd.s32 $0xFFFFD900  }
0x4b: {  	[spmem:s12], [sflag:s9] =	dma.local @!p0 [hbm:s13], $0x100  }
0x4c: {  	s13 =	simm.s32 @!p0 $0x5  }
0x4d: {  	_ =	swait.ge @!p0 [sflag:s13], $0x100  }
0x4e: {  	[sflag:s13] =	ssyncset.done @!p0 $0x0  }
0x4f: {  	s14 =	simm.s32 $0x280;
	s18 =	rddreg [dreg:$0x5];
	[sflag:s13] =	ssyncadd.s32 @!p0 $0xFFFFFF00  }
0x50: {  	[tilespmem:s14], [sflag:$0x5] =	stream.linear.gather [hbm4b:s18+s2], $0x80, $0x38;
	[tilespmem:$0x14F80] =	vst v63  }
0x51: {  	_ =	swait.ge [sflag:s0], $0x80  }
0x52: {  	[sflag:s0] =	ssyncset.done $0x0  }
0x53: {  	[sflag:s0] =	ssyncadd.s32 $0xFFFFFF80  }
0x54: {  	[bflag:$0x0] =	sbarrier.arrive $0xFFFF  }
0x55: {  	v0 =	vld [tilespmem:$0x280];
	_ =	sdelay $0x4  }
0x56: {  	v0 =	vxor.u32 $0x80000000, v0  }
0x57: {  	(xrf0) =	vmax.scan.msk.u32 $0xffff, v0;
	_ =	sdelay $0x5  }
0x58: {  	v0, _, _ =	vpop (xrf0)  }
0x59: {  	(v2sf) =	vpush v0, $0xF;
	_ =	sdelay $0xe  }
0x5a: {  	s19 =	spop (v2sf)  }
0x5b: {  	p1 =	sne.s32 s19, $0x80000001  }
.Ltmp2:
0x5c: {  	_ = 	snop;
	(pc) =	sbr.rel @p1 .LBB2_17-.Ltmp2, $3  }
0x5d: {  	_ =	sdelay $0x1  }
0x5e: {  	s20 =	rddreg [dreg:$0x9]  }
0x5f: {  	[tilespmem:s2], [sflag:$0x1] =	stream.linear.gather [hbm4b:s20+s2], $0x28, $0x38;
	[tilespmem:$0x14F80] =	vst v63  }
.Ltmp3:
0x60: {  	s13 =	rddreg [dreg:$0xb];
	(pc) =	sbr.rel .LBB2_3-.Ltmp3, $4  }
0x61: {  	s14 =	rddreg [dreg:$0x13]  }
0x62: {  	s18 =	rddreg [dreg:$0x12]  }
0x63: {  	[tilespmem:s22], [sflag:$0x2] =	stream.linear.gather [hbm4b:s13+s2], $0x28, $0x38;
	[tilespmem:$0x14F80] =	vst v63  }
0x64: {  	s19 =	rddreg [dreg:$0x11];
	s13 =	simm.s32 $0x3  }
.LBB2_14:
0x65: {  	s13 =	sadd.s32 $0x4, s13  }
0x66: {  	p1 =	seq.s32 s13, $0xFF  }
.Ltmp4:
0x67: {  	_ = 	snop;
	(pc) =	sbr.rel @p1 .LBB2_16-.Ltmp4, $2  }
0x68: {  	_ =	sdelay $0x2  }
0x69: {  	s19 =	sadd.s32 $0x14, s19;
	s18 =	sadd.s32 $0xA0, s18;
	s14 =	sadd.s32 $0x14, s14  }
.LBB2_3:
0x6a: {  	p1 =	sne.s32 s13, $0x3  }
.Ltmp5:
0x6b: {  	_ = 	snop;
	(pc) =	sbr.rel @p1 .LBB2_7-.Ltmp5, $4  }
0x6c: {  	_ = 	snop  }
0x6d: {  	_ =	swait.ge [sflag:s4], $0x28  }
0x6e: {  	[sflag:s4] =	ssyncset.done $0x0  }
0x6f: {  	[sflag:s4] =	ssyncadd.s32 $0xFFFFFFD8  }
.Ltmp6:
0x70: {  	(pc) =	sbr.rel .LBB2_5-.Ltmp6, $3  }
0x71: {  	_ =	sdelay $0x1  }
0x72: {  	[spmem:s1] =	stream.indirect.scatter.add.f32 [tilespmem:s16], [sflag:$0x3], $0x80, s2, s15, $0xb8;
	[tilespmem:$0x14F80] =	vst v63  }
0x73: {  	s20 =	simm.s32 $0x2  }
.LBB2_7:
0x74: {  	s20 =	sadd.s32 $0xFFFFFFFF, s13  }
0x75: {  	p2 =	slt.u32 s20, $0xFA  }
.Ltmp7:
0x76: {  	_ = 	snop;
	(pc) =	sbr.rel @!p2 .LBB2_8-.Ltmp7, $4  }
0x77: {  	_ =	swait.ge [sflag:s29], $0x1400  }
0x78: {  	[sflag:s29] =	ssyncset.done $0x0  }
0x79: {  	[sflag:s29] =	ssyncadd.s32 $0xFFFFEC00  }
0x7a: {  	[spmem:s1] =	stream.indirect.scatter.add.f32 [tilespmem:s16], [sflag:$0x3], $0x80, s2, s15, $0xb8;
	[tilespmem:$0x14F80] =	vst v63  }
.LBB2_5:
0x7b: {  	s20 =	smul.u32 $0x28, s20;
	_ =	sdelay $0x1  }
0x7c: {  	s20 =	sadd.s32 s10, s20  }
0x7d: {  	s20 =	sshrl.u32 s20, $0x3  }
.Ltmp8:
0x7e: {  	s20 =	sadd.s32 s5, s20;
	(pc) =	sbr.rel @p1 .LBB2_9-.Ltmp8, $4  }
0x7f: {  	[tilespmem:s21], [sflag:$0x1] =	stream.linear.gather [hbm4b:s20+s2], $0x28, $0x38;
	[tilespmem:$0x14F80] =	vst v63  }
0x80: {  	_ =	swait.ge [sflag:s25], $0x28  }
0x81: {  	[sflag:s25] =	ssyncset.done $0x0  }
0x82: {  	p2 =	por $0x1, $0x1;
	[sflag:s25] =	ssyncadd.s32 $0xFFFFFFD8  }
.Ltmp9:
0x83: {  	(pc) =	sbr.rel .LBB2_12-.Ltmp9, $4  }
0x84: {  	_ = 	snop  }
0x85: {  	[spmem:s1] =	stream.indirect.scatter.add.f32 [tilespmem:s16], [sflag:$0x4], $0x80, s22, s15, $0xb8;
	[tilespmem:$0x14F80] =	vst v63  }
0x86: {  	_ = 	snop  }
0x87: {  	[tilespmem:s28], [sflag:$0x2] =	stream.linear.gather [hbm4b:s17+s2], $0x28, $0x38;
	[tilespmem:$0x14F80] =	vst v63  }
.LBB2_8:
0x88: {  	_ =	swait.ge [sflag:s25], $0x28  }
0x89: {  	[sflag:s25] =	ssyncset.done $0x0  }
0x8a: {  	p2 =	por $0x0, $0x0;
	[sflag:s25] =	ssyncadd.s32 $0xFFFFFFD8  }
.LBB2_9:
0x8b: {  	p1 =	sgt.u32 s13, $0xF9  }
.Ltmp10:
0x8c: {  	_ = 	snop;
	(pc) =	sbr.rel @p1 .LBB2_11-.Ltmp10, $4  }
0x8d: {  	_ =	swait.ge [sflag:s7], $0x1400  }
0x8e: {  	[sflag:s7] =	ssyncset.done $0x0  }
0x8f: {  	[sflag:s7] =	ssyncadd.s32 $0xFFFFEC00  }
0x90: {  	[spmem:s1] =	stream.indirect.scatter.add.f32 [tilespmem:s16], [sflag:$0x4], $0x80, s22, s15, $0xb8;
	[tilespmem:$0x14F80] =	vst v63  }
.Ltmp11:
0x91: {  	(pc) =	sbr.rel @p2 .LBB2_12-.Ltmp11, $4  }
.Ltmp12:
0x92: {  	(pc) =	sbr.rel @!p2 .LBB2_14-.Ltmp12, $4  }
0x93: {  	_ = 	snop  }
0x94: {  	_ = 	snop  }
0x95: {  	[tilespmem:s28], [sflag:$0x2] =	stream.linear.gather [hbm4b:s14+s2], $0x28, $0x38;
	[tilespmem:$0x14F80] =	vst v63  }
0x96: {  	_ = 	snop  }
.LBB2_11:
.Ltmp13:
0x97: {  	(pc) =	sbr.rel @!p2 .LBB2_14-.Ltmp13, $1  }
0x98: {  	_ =	sdelay $0x3  }
.LBB2_12:
0x99: {  	_ =	swait.ge [sflag:s4], $0x28  }
0x9a: {  	p1 =	seq.s32 s13, $0xFB;
	[sflag:s4] =	ssyncset.done $0x0  }
.Ltmp14:
0x9b: {  	[sflag:s4] =	ssyncadd.s32 $0xFFFFFFD8;
	(pc) =	sbr.rel @p1 .LBB2_15-.Ltmp14, $4  }
0x9c: {  	_ =	swait.ge [sflag:s29], $0x1400  }
0x9d: {  	[sflag:s29] =	ssyncset.done $0x0  }
0x9e: {  	[sflag:s29] =	ssyncadd.s32 $0xFFFFEC00  }
0x9f: {  	[spmem:s1] =	stream.indirect.scatter.add.f32 [tilespmem:s16], [sflag:$0x3], $0x80, s21, s15, $0xb8;
	[tilespmem:$0x14F80] =	vst v63  }
0xa0: {  	s20 =	sshrl.u32 s18, $0x3  }
0xa1: {  	s20 =	sadd.s32 s5, s20  }
0xa2: {  	[tilespmem:s2], [sflag:$0x1] =	stream.linear.gather [hbm4b:s20+s2], $0x28, $0x38;
	[tilespmem:$0x14F80] =	vst v63  }
0xa3: {  	_ =	swait.ge [sflag:s25], $0x28  }
0xa4: {  	[sflag:s25] =	ssyncset.done $0x0  }
0xa5: {  	[sflag:s25] =	ssyncadd.s32 $0xFFFFFFD8  }
0xa6: {  	_ =	swait.ge [sflag:s7], $0x1400  }
.Ltmp15:
0xa7: {  	[sflag:s7] =	ssyncset.done $0x0;
	(pc) =	sbr.rel .LBB2_14-.Ltmp15, $4  }
0xa8: {  	[sflag:s7] =	ssyncadd.s32 $0xFFFFEC00  }
0xa9: {  	[spmem:s1] =	stream.indirect.scatter.add.f32 [tilespmem:s16], [sflag:$0x4], $0x80, s28, s15, $0xb8;
	[tilespmem:$0x14F80] =	vst v63  }
0xaa: {  	_ = 	snop  }
0xab: {  	[tilespmem:s22], [sflag:$0x2] =	stream.linear.gather [hbm4b:s19+s2], $0x28, $0x38;
	[tilespmem:$0x14F80] =	vst v63  }
.LBB2_17:
0xac: {  	s13 =	simm.s32 $0x0;
	s14 =	rddreg [dreg:$0xa]  }
0xad: {  	[tilespmem:s21], [sflag:$0x1] =	stream.linear.gather [hbm4b:s14+s13], $0x28, $0x38;
	[tilespmem:$0x14F80] =	vst v63  }
0xae: {  	_ =	swait.ge [sflag:s4], $0x28  }
0xaf: {  	[sflag:s4] =	ssyncset.done $0x0  }
0xb0: {  	[sflag:s4] =	ssyncadd.s32 $0xFFFFFFD8  }
0xb1: {  	_ =	swait.ge [sflag:s4], $0x28  }
0xb2: {  	[sflag:s4] =	ssyncset.done $0x0  }
0xb3: {  	s18 =	sadd.s32 $0x0, s24;
	[sflag:s4] =	ssyncadd.s32 $0xFFFFFFD8  }
0xb4: {  	[tilespmem:s22], [sflag:$0x2] =	stream.linear.gather [hbm4b:s18+s2], $0x28, $0x38;
	[tilespmem:$0x14F80] =	vst v63  }
0xb5: {  	s19 =	sadd.s32 $0x0, s23  }
0xb6: {  	[tilespmem:s28], [sflag:$0x2] =	stream.linear.gather [hbm4b:s19+s2], $0x28, $0x38;
	[tilespmem:$0x14F80] =	vst v63  }
0xb7: {  	_ = 	snop  }
0xb8: {  	[tilespmem:s16], [sflag:$0x5] =	stream.indirect.gather [hbm4b:s3+s15], $0x80, s21, s15, $0xb8;
	[tilespmem:$0x14F80] =	vst v63  }
0xb9: {  	_ =	swait.ge [sflag:s0], $0x1400  }
0xba: {  	[sflag:s0] =	ssyncset.done $0x0  }
0xbb: {  	[sflag:s0] =	ssyncadd.s32 $0xFFFFEC00  }
0xbc: {  	[spmem:s1] =	stream.indirect.scatter.add.f32 [tilespmem:s16], [sflag:$0x5], $0x80, s2, s15, $0xb8;
	[tilespmem:$0x14F80] =	vst v63  }
0xbd: {  	_ =	swait.ge [sflag:s0], $0x1400  }
0xbe: {  	[sflag:s0] =	ssyncset.done $0x0  }
0xbf: {  	[sflag:s0] =	ssyncadd.s32 $0xFFFFEC00  }
0xc0: {  	_ =	swait.ge [sflag:s25], $0x28  }
0xc1: {  	[sflag:s25] =	ssyncset.done $0x0  }
0xc2: {  	[sflag:s25] =	ssyncadd.s32 $0xFFFFFFD8  }
0xc3: {  	_ =	swait.ge [sflag:s25], $0x28  }
0xc4: {  	s20 =	sshrl.u32 s26, $0x3;
	[sflag:s25] =	ssyncset.done $0x0  }
0xc5: {  	s31 =	sadd.s32 s5, s20;
	[sflag:s25] =	ssyncadd.s32 $0xFFFFFFD8  }
0xc6: {  	[tilespmem:s2], [sflag:$0x1] =	stream.linear.gather [hbm4b:s31+s2], $0x28, $0x38;
	[tilespmem:$0x14F80] =	vst v63  }
0xc7: {  	s13 =	sadd.s32 s6, s20  }
0xc8: {  	[tilespmem:s21], [sflag:$0x1] =	stream.linear.gather [hbm4b:s13+s2], $0x28, $0x38;
	[tilespmem:$0x14F80] =	vst v63  }
0xc9: {  	_ = 	snop  }
0xca: {  	[tilespmem:s16], [sflag:$0x5] =	stream.indirect.gather [hbm4b:s3+s15], $0x80, s28, s15, $0xb8;
	[tilespmem:$0x14F80] =	vst v63  }
0xcb: {  	_ =	swait.ge [sflag:s0], $0x1400  }
0xcc: {  	[sflag:s0] =	ssyncset.done $0x0  }
0xcd: {  	[sflag:s0] =	ssyncadd.s32 $0xFFFFEC00  }
0xce: {  	[spmem:s1] =	stream.indirect.scatter.add.f32 [tilespmem:s16], [sflag:$0x5], $0x80, s22, s15, $0xb8;
	[tilespmem:$0x14F80] =	vst v63  }
0xcf: {  	_ =	swait.ge [sflag:s0], $0x1400  }
0xd0: {  	[sflag:s0] =	ssyncset.done $0x0  }
0xd1: {  	[sflag:s0] =	ssyncadd.s32 $0xFFFFEC00  }
0xd2: {  	_ =	swait.ge [sflag:s4], $0x28  }
0xd3: {  	[sflag:s4] =	ssyncset.done $0x0  }
0xd4: {  	[sflag:s4] =	ssyncadd.s32 $0xFFFFFFD8  }
0xd5: {  	s14 =	simm.s32 $0xA;
	_ =	swait.ge [sflag:s4], $0x28  }
0xd6: {  	s19 =	simm.s32 $0x14;
	s13 =	sadd.s32 $0x50, s26;
	[sflag:s4] =	ssyncset.done $0x0  }
.LBB2_18:
0xd7: {  	s20 =	sadd.s32 s14, s24  }
0xd8: {  	[sflag:s4] =	ssyncadd.s32 $0xFFFFFFD8;
	s31 =	smov.u32 s19;
	s18 =	sadd.s32 $0xA, s19  }
0xd9: {  	[tilespmem:s22], [sflag:$0x2] =	stream.linear.gather [hbm4b:s20+s2], $0x28, $0x38;
	[tilespmem:$0x14F80] =	vst v63  }
0xda: {  	p1 =	sne.s32 s19, $0x4CE;
	s19 =	sadd.s32 s14, s23;
	s14 =	smov.u32 s31  }
0xdb: {  	[tilespmem:s28], [sflag:$0x2] =	stream.linear.gather [hbm4b:s19+s2], $0x28, $0x38;
	[tilespmem:$0x14F80] =	vst v63  }
0xdc: {  	_ = 	snop  }
0xdd: {  	[tilespmem:s16], [sflag:$0x5] =	stream.indirect.gather [hbm4b:s3+s15], $0x80, s21, s15, $0xb8;
	[tilespmem:$0x14F80] =	vst v63  }
0xde: {  	_ =	swait.ge [sflag:s0], $0x1400  }
0xdf: {  	[sflag:s0] =	ssyncset.done $0x0  }
0xe0: {  	[sflag:s0] =	ssyncadd.s32 $0xFFFFEC00  }
0xe1: {  	[spmem:s1] =	stream.indirect.scatter.add.f32 [tilespmem:s16], [sflag:$0x5], $0x80, s2, s15, $0xb8;
	[tilespmem:$0x14F80] =	vst v63  }
0xe2: {  	_ =	swait.ge [sflag:s0], $0x1400  }
0xe3: {  	[sflag:s0] =	ssyncset.done $0x0  }
0xe4: {  	[sflag:s0] =	ssyncadd.s32 $0xFFFFEC00  }
0xe5: {  	_ =	swait.ge [sflag:s25], $0x28  }
0xe6: {  	[sflag:s25] =	ssyncset.done $0x0  }
0xe7: {  	[sflag:s25] =	ssyncadd.s32 $0xFFFFFFD8  }
0xe8: {  	_ =	swait.ge [sflag:s25], $0x28  }
0xe9: {  	s19 =	sshrl.u32 s13, $0x3;
	[sflag:s25] =	ssyncset.done $0x0  }
0xea: {  	s20 =	sadd.s32 s5, s19;
	[sflag:s25] =	ssyncadd.s32 $0xFFFFFFD8  }
0xeb: {  	[tilespmem:s2], [sflag:$0x1] =	stream.linear.gather [hbm4b:s20+s2], $0x28, $0x38;
	[tilespmem:$0x14F80] =	vst v63  }
0xec: {  	s19 =	sadd.s32 s6, s19  }
0xed: {  	[tilespmem:s21], [sflag:$0x1] =	stream.linear.gather [hbm4b:s19+s2], $0x28, $0x38;
	[tilespmem:$0x14F80] =	vst v63  }
0xee: {  	_ = 	snop  }
0xef: {  	[tilespmem:s16], [sflag:$0x5] =	stream.indirect.gather [hbm4b:s3+s15], $0x80, s28, s15, $0xb8;
	[tilespmem:$0x14F80] =	vst v63  }
0xf0: {  	_ =	swait.ge [sflag:s0], $0x1400  }
0xf1: {  	[sflag:s0] =	ssyncset.done $0x0  }
0xf2: {  	[sflag:s0] =	ssyncadd.s32 $0xFFFFEC00  }
0xf3: {  	[spmem:s1] =	stream.indirect.scatter.add.f32 [tilespmem:s16], [sflag:$0x5], $0x80, s22, s15, $0xb8;
	[tilespmem:$0x14F80] =	vst v63  }
0xf4: {  	_ =	swait.ge [sflag:s0], $0x1400  }
0xf5: {  	[sflag:s0] =	ssyncset.done $0x0  }
0xf6: {  	[sflag:s0] =	ssyncadd.s32 $0xFFFFEC00  }
.Ltmp16:
0xf7: {  	_ =	swait.ge [sflag:s4], $0x28;
	(pc) =	sbr.rel @p1 .LBB2_18-.Ltmp16, $4  }
0xf8: {  	[sflag:s4] =	ssyncset.done $0x0  }
0xf9: {  	[sflag:s4] =	ssyncadd.s32 $0xFFFFFFD8  }
0xfa: {  	_ =	swait.ge [sflag:s4], $0x28  }
0xfb: {  	s13 =	sadd.s32 $0x50, s13;
	s19 =	smov.u32 s18;
	[sflag:s4] =	ssyncset.done $0x0  }
0xfc: {  	s18 =	sadd.s32 s14, s24;
	[sflag:s4] =	ssyncadd.s32 $0xFFFFFFD8  }
0xfd: {  	[tilespmem:s22], [sflag:$0x2] =	stream.linear.gather [hbm4b:s18+s2], $0x28, $0x38;
	[tilespmem:$0x14F80] =	vst v63  }
0xfe: {  	s20 =	sadd.s32 s14, s23  }
0xff: {  	[tilespmem:s28], [sflag:$0x2] =	stream.linear.gather [hbm4b:s20+s2], $0x28, $0x38;
	[tilespmem:$0x14F80] =	vst v63  }
0x100: {  	_ = 	snop  }
0x101: {  	[tilespmem:s16], [sflag:$0x5] =	stream.indirect.gather [hbm4b:s3+s15], $0x80, s21, s15, $0xb8;
	[tilespmem:$0x14F80] =	vst v63  }
0x102: {  	_ =	swait.ge [sflag:s0], $0x1400  }
0x103: {  	[sflag:s0] =	ssyncset.done $0x0  }
0x104: {  	[sflag:s0] =	ssyncadd.s32 $0xFFFFEC00  }
0x105: {  	[spmem:s1] =	stream.indirect.scatter.add.f32 [tilespmem:s16], [sflag:$0x5], $0x80, s2, s15, $0xb8;
	[tilespmem:$0x14F80] =	vst v63  }
0x106: {  	_ =	swait.ge [sflag:s0], $0x1400  }
0x107: {  	[sflag:s0] =	ssyncset.done $0x0  }
0x108: {  	[sflag:s0] =	ssyncadd.s32 $0xFFFFEC00  }
0x109: {  	_ =	swait.ge [sflag:s25], $0x28  }
0x10a: {  	[sflag:s25] =	ssyncset.done $0x0  }
0x10b: {  	[sflag:s25] =	ssyncadd.s32 $0xFFFFFFD8  }
0x10c: {  	_ =	swait.ge [sflag:s25], $0x28  }
0x10d: {  	s13 =	sshrl.u32 s13, $0x3;
	[sflag:s25] =	ssyncset.done $0x0  }
0x10e: {  	s18 =	sadd.s32 s5, s13;
	[sflag:s25] =	ssyncadd.s32 $0xFFFFFFD8  }
0x10f: {  	[tilespmem:s2], [sflag:$0x1] =	stream.linear.gather [hbm4b:s18+s2], $0x28, $0x38;
	[tilespmem:$0x14F80] =	vst v63  }
0x110: {  	s13 =	sadd.s32 s6, s13  }
0x111: {  	[tilespmem:s21], [sflag:$0x1] =	stream.linear.gather [hbm4b:s13+s2], $0x28, $0x38;
	[tilespmem:$0x14F80] =	vst v63  }
0x112: {  	_ = 	snop  }
0x113: {  	[tilespmem:s16], [sflag:$0x5] =	stream.indirect.gather [hbm4b:s3+s15], $0x80, s28, s15, $0xb8;
	[tilespmem:$0x14F80] =	vst v63  }
0x114: {  	_ =	swait.ge [sflag:s0], $0x1400  }
0x115: {  	[sflag:s0] =	ssyncset.done $0x0  }
0x116: {  	[sflag:s0] =	ssyncadd.s32 $0xFFFFEC00  }
0x117: {  	[spmem:s1] =	stream.indirect.scatter.add.f32 [tilespmem:s16], [sflag:$0x5], $0x80, s22, s15, $0xb8;
	[tilespmem:$0x14F80] =	vst v63  }
0x118: {  	_ =	swait.ge [sflag:s0], $0x1400  }
0x119: {  	[sflag:s0] =	ssyncset.done $0x0  }
0x11a: {  	[sflag:s0] =	ssyncadd.s32 $0xFFFFEC00  }
0x11b: {  	_ =	swait.ge [sflag:s4], $0x28  }
0x11c: {  	[sflag:s4] =	ssyncset.done $0x0  }
0x11d: {  	[sflag:s4] =	ssyncadd.s32 $0xFFFFFFD8  }
0x11e: {  	_ =	swait.ge [sflag:s4], $0x28  }
0x11f: {  	[sflag:s4] =	ssyncset.done $0x0  }
0x120: {  	s19 =	rddreg [dreg:$0xf];
	[sflag:s4] =	ssyncadd.s32 $0xFFFFFFD8  }
0x121: {  	[tilespmem:s22], [sflag:$0x2] =	stream.linear.gather [hbm4b:s19+s2], $0x28, $0x38;
	[tilespmem:$0x14F80] =	vst v63  }
0x122: {  	s20 =	rddreg [dreg:$0x10]  }
0x123: {  	[tilespmem:s28], [sflag:$0x2] =	stream.linear.gather [hbm4b:s20+s2], $0x28, $0x38;
	[tilespmem:$0x14F80] =	vst v63  }
0x124: {  	s13 =	simm.s32 $0x5  }
0x125: {  	[tilespmem:s16], [sflag:$0x5] =	stream.indirect.gather [hbm4b:s3+s15], $0x80, s21, s15, $0xb8;
	[tilespmem:$0x14F80] =	vst v63  }
0x126: {  	_ =	swait.ge [sflag:s13], $0x1400  }
0x127: {  	[sflag:s13] =	ssyncset.done $0x0  }
0x128: {  	[sflag:s13] =	ssyncadd.s32 $0xFFFFEC00  }
0x129: {  	[spmem:s1] =	stream.indirect.scatter.add.f32 [tilespmem:s16], [sflag:$0x5], $0x80, s2, s15, $0xb8;
	[tilespmem:$0x14F80] =	vst v63  }
0x12a: {  	_ =	swait.ge [sflag:s13], $0x1400  }
0x12b: {  	[sflag:s13] =	ssyncset.done $0x0  }
0x12c: {  	[sflag:s13] =	ssyncadd.s32 $0xFFFFEC00  }
0x12d: {  	_ =	swait.ge [sflag:s25], $0x28  }
0x12e: {  	[sflag:s25] =	ssyncset.done $0x0  }
0x12f: {  	[sflag:s25] =	ssyncadd.s32 $0xFFFFFFD8  }
0x130: {  	_ =	swait.ge [sflag:s25], $0x28  }
0x131: {  	[sflag:s25] =	ssyncset.done $0x0  }
0x132: {  	[sflag:s25] =	ssyncadd.s32 $0xFFFFFFD8  }
0x133: {  	[tilespmem:s16], [sflag:$0x5] =	stream.indirect.gather [hbm4b:s3+s15], $0x80, s28, s15, $0xb8;
	[tilespmem:$0x14F80] =	vst v63  }
.Ltmp17:
0x134: {  	_ = 	snop;
	(pc) =	sbr.rel .LBB2_20-.Ltmp17, $4  }
0x135: {  	_ =	swait.ge [sflag:s13], $0x1400  }
0x136: {  	[sflag:s13] =	ssyncset.done $0x0  }
0x137: {  	s31 =	stileid.u32;
	[sflag:s13] =	ssyncadd.s32 $0xFFFFEC00  }
0x138: {  	[spmem:s1] =	stream.indirect.scatter.add.f32 [tilespmem:s16], [sflag:$0x5], $0x80, s22, s15, $0xb8;
	[tilespmem:$0x14F80] =	vst v63  }
.LBB2_21:
0x139: {  	_ =	sfence.sel $0x180000  }
0x13a: {  	[bflag:$0x0] =	sbarrier.arrive $0xFFFF  }
0x13b: {  	_ =	strace $0x90000047  }
0x13c: {  	[bflag:$0x2] =	sbarrier.arrive $0xFFFF  }
0x13d: {  	s0 =	rddreg [dreg:$0x2]  }
0x13e: {  	s0 =	sadd.s32 @!p0 $0x100000, s0  }
0x13f: {  	[sflag:s0] =	ssyncadd.tile.s32 @!p0 $0x1;
	_ =	shalt  }
.Lfunc_end2:
_tile_overlayer_lowered:
.L_overlay_start_2:
0x140: {  	(tag) =	ssettag $0x2  }
0x141: {  	s0 =	rddreg [dreg:$0x0];
	s2 =	stileid.u32  }
0x142: {  	s1 =	rddreg [dreg:$0x1];
	p0 =	sne.s32 s2, $0x0  }
0x143: {  	s3 =	rddreg [dreg:$0x2];
	[bflag:$0x3] =	sbarrier.arrive $0xFFFF;
	s2 =	simm.s32 @!p0 $0x1C05  }
0x144: {  	[timem:s3], [sflag:s2] =	dma.local @!p0 [hbm:s0], s1  }
0x145: {  	s0 =	simm.s32 @!p0 $0x5  }
0x146: {  	_ =	swait.ge @!p0 [sflag:s0], s1  }
0x147: {  	s1 =	ssub.s32 @!p0 $0x0, s1;
	[sflag:s0] =	ssyncset.done @!p0 $0x0  }
0x148: {  	[sflag:s0] =	ssyncadd.s32 @!p0 s1  }
0x149: {  	[bflag:$0x3] =	sbarrier.arrive $0xFFFF  }
0x14a: {  	_ =	shalt  }

</sc_bundles>
